<compile_context>
chip_gen: v7x
topology: tpu7x:2x2x1
jax: 0.10.2.dev20260603
libtpu: 0.0.44.dev20260713+nightly
codegen_flags: <defaults>
</compile_context>

<pallas_src>
import functools

import jax
import jax.numpy as jnp
from jax import lax
from jax.experimental import pallas as pl
from jax.experimental.pallas import tpu as pltpu
from jax.experimental.pallas import tpu_sc as plsc

_B = 4096
_C = 26
_D = 1024
_K = 32
_L = 16
_NC = 2
_NS = 16
_NW = _NC * _NS
_BPW = _B // _NW
_G = 16
_NG = _BPW // _G


def _sort16(x):
    return plsc.sort_key_val(x, x)[0]


def _sort16d(x):
    return plsc.sort_key_val(x, x, descending=True)[0]


def _merge_pair(v0, v1, R0, R1):
    a = _sort16(v0)
    bd = _sort16d(v1)
    u0d = _sort16d(jnp.minimum(a, bd))
    u1d = _sort16d(jnp.maximum(a, bd))
    m0 = jnp.minimum(R0, u1d)
    m1 = jnp.minimum(R1, u0d)
    lo = jnp.minimum(m0, m1)
    hi = jnp.maximum(m0, m1)
    return _sort16(lo), _sort16(hi)


def _sc_body(encoded, labels, out, lab_v, bufs, out_v, sem_a, sem_b, sem_c):
    wid = lax.axis_index("s") * _NC + lax.axis_index("c")
    base = wid * _BPW

    pltpu.sync_copy(labels.at[pl.ds(base, _BPW)], lab_v)
    lane = lax.iota(jnp.int32, _L)
    lane_hi = lane + jnp.int32(_L)

    def start(g, m, sem):
        for j in range(_G // _L):
            chunk = lab_v[pl.ds(g * _G + j * _L, _L)]
            idx = chunk * jnp.int32(_B) + (base + g * _G + j * _L + lane)
            pltpu.async_copy(
                encoded.at[idx], bufs.at[m, pl.ds(j * _L, _L)], sem)

    def drain(m, sem):
        pltpu.make_async_copy(encoded.at[pl.ds(0, _G)], bufs.at[m], sem).wait()

    def process(m, g):
        inf16 = jnp.full((_L,), jnp.inf, jnp.float32)

        def finish(R, r):
            col = jnp.full((_L,), g * _G + r, jnp.int32)
            plsc.store_scatter(out_v, [lane, col], R[0])
            plsc.store_scatter(out_v, [lane_hi, col], R[1])

        def row_body(r, carry):
            rows = [8 * r + k for k in range(8)]

            def chunk_body(c, R):
                off = c * 64

                def duo(row, Rq):
                    q0, q1 = _merge_pair(
                        bufs[m, row, pl.ds(off, _L)],
                        bufs[m, row, pl.ds(off + 16, _L)], Rq[0], Rq[1])
                    return _merge_pair(
                        bufs[m, row, pl.ds(off + 32, _L)],
                        bufs[m, row, pl.ds(off + 48, _L)], q0, q1)

                return tuple(duo(row, Rq) for row, Rq in zip(rows, R))

            init = tuple((inf16, inf16) for _ in rows)
            R = lax.fori_loop(0, _D // 64, chunk_body, init)
            for Rq, row in zip(R, rows):
                finish(Rq, row)
            return carry

        lax.fori_loop(0, _G // 8, row_body, jnp.int32(0))

    sems = (sem_a, sem_b, sem_c)

    def sem_switch(m, fn):
        for s in range(3):
            @pl.when(m == s)
            def _(s=s):
                fn(sems[s])

    start(0, jnp.int32(0), sem_a)
    start(1, jnp.int32(1), sem_b)

    def group(g, carry):
        m = lax.rem(g, 3)

        @pl.when(g + 2 < _NG)
        def _():
            m2 = lax.rem(g + 2, 3)
            sem_switch(m2, lambda s: start(g + 2, m2, s))

        sem_switch(m, lambda s: drain(m, s))
        process(m, g)
        return carry

    lax.fori_loop(0, _NG, group, jnp.int32(0))

    pltpu.sync_copy(out_v, out.at[:, pl.ds(base, _BPW)])


@functools.partial(
    pl.kernel,
    mesh=plsc.VectorSubcoreMesh(core_axis_name="c", subcore_axis_name="s"),
    out_type=jax.ShapeDtypeStruct((_K, _B), jnp.float32),
    compiler_params=pltpu.CompilerParams(needs_layout_passes=False),
    scratch_types=[
        pltpu.VMEM((_BPW,), jnp.int32),
        pltpu.VMEM((3, _G, _D), jnp.float32),
        pltpu.VMEM((_K, _BPW), jnp.float32),
        pltpu.SemaphoreType.DMA,
        pltpu.SemaphoreType.DMA,
        pltpu.SemaphoreType.DMA,
    ],
)
def _bottom_k_sc(encoded, labels, out, lab_v, bufs, out_v, sem_a, sem_b, sem_c):
    _sc_body(encoded, labels, out, lab_v, bufs, out_v, sem_a, sem_b, sem_c)


def _softmax_cols(x):
    m = jnp.max(x, axis=0, keepdims=True)
    e = jnp.exp(x - m)
    return e / jnp.sum(e, axis=0, keepdims=True)


def _kl_body(rho_ref, rhohat_ref, out_ref):
    p = _softmax_cols(rho_ref[...])
    q = _softmax_cols(rhohat_ref[...])
    s1 = jnp.sum(p * jnp.log(p / q))
    s2 = jnp.sum((1.0 - p) * jnp.log((1.0 - p) / (1.0 - q)))
    out_ref[0, 0] = s1 + s2


def kernel(rho, encoded, labels, K):
    enc_t = jnp.swapaxes(encoded, 0, 1)
    table = enc_t.reshape(_C * _B, _D)
    labels32 = labels.astype(jnp.int32)
    rho_hat_t = _bottom_k_sc(table, labels32)
    rho_t = jnp.swapaxes(rho, 0, 1)
    loss = pl.pallas_call(
        _kl_body,
        out_shape=jax.ShapeDtypeStruct((1, 1), jnp.float32),
        out_specs=pl.BlockSpec(memory_space=pltpu.SMEM),
    )(rho_t, rho_hat_t)
    return loss[0, 0]

# --- scband reference (transcript-rebuilt; emitter-appended) ---
"""Pipeline reference for scband-sparse-loss-68521908241005 (READ-ONLY COPY).

The authoritative reference and input builder live on the scoring server;
editing this copy changes nothing except your own understanding.
"""

import jax, jax.numpy as jnp
import numpy as np


def setup_inputs(seed: int = 0) -> dict:
    key = jax.random.key(seed)
    k1, k2, k3 = jax.random.split(key, 3)
    rho = jax.random.uniform(k1, (4096, 32), dtype=jnp.float32)
    encoded = jax.random.normal(k2, (4096, 26, 1024), dtype=jnp.float32)
    labels = jax.random.randint(k3, (4096,), 0, 26, dtype=jnp.int64)
    return {"rho": rho, "encoded": encoded, "labels": labels, "K": 32}


def _kl_divergence(p, q):
    p = jax.nn.softmax(p, axis=1)
    q = jax.nn.softmax(q, axis=1)
    s1 = jnp.sum(p * jnp.log(p / q))
    s2 = jnp.sum((1 - p) * jnp.log((1 - p) / (1 - q)))
    return s1 + s2


def reference(rho, encoded, labels, K):
    index_dim0 = jnp.arange(labels.shape[0])
    enc = encoded[index_dim0, labels]  # gather -> [B, D]
    # torch topk(largest=False) returns the K smallest values sorted ascending.
    # lax.top_k(-enc) gives K largest of -enc sorted descending; negating yields
    # the K smallest of enc sorted ascending, matching torch ordering.
    k_static = rho.shape[1]
    neg_vals, _ = jax.lax.top_k(-enc, k_static)
    rho_hat = -neg_vals  # [B, K]
    loss = _kl_divergence(rho, rho_hat)
    return loss * (K // K)

if __name__ == "__main__":
    import jax
    _d = setup_inputs()
    print(jax.jit(kernel)(*tuple(_d.values())))

</pallas_src>

<mosaic_0001>
#map = affine_map<(d0, d1) -> (0, 0)>
#map1 = affine_map<(d0, d1) -> (0)>
module attributes {stable_mosaic.version = 14 : i64} {
  func.func @_bottom_k_sc(%arg0: i32, %arg1: i32, %arg2: memref<106496x1024xf32, #tpu.memory_space<hbm>>, %arg3: memref<4096xi32, #tpu.memory_space<hbm>>, %arg4: memref<32x4096xf32, #tpu.memory_space<hbm>>, %arg5: memref<128xi32, #tpu.memory_space<vmem>>, %arg6: memref<3x16x1024xf32, #tpu.memory_space<vmem>>, %arg7: memref<32x128xf32, #tpu.memory_space<vmem>>, %arg8: memref<!tpu.dma_semaphore, #tpu.memory_space<semaphore_mem>>, %arg9: memref<!tpu.dma_semaphore, #tpu.memory_space<semaphore_mem>>, %arg10: memref<!tpu.dma_semaphore, #tpu.memory_space<semaphore_mem>>) attributes {dimension_semantics = [#tpu.dimension_semantics<core_parallel>, #tpu.dimension_semantics<subcore_parallel>], iteration_bounds = array<i64: 2, 16>, scalar_prefetch = 0 : i64, scratch_operands = 6 : i64, tpu.core_type = #tpu.core_type<sc_vector_subcore>, window_params = [{transform_indices = #map}, {transform_indices = #map1}, {transform_indices = #map}]} {
    %mul3A = arith.constant 2 : i32
    %mul3A_0 = arith.muli %arg1, %mul3A : i32
    %add3A = arith.addi %mul3A_0, %arg0 : i32
    %mul3A_1 = arith.constant 128 : i32
    %mul3A_2 = arith.muli %add3A, %mul3A_1 : i32
    "tpu.region"() ({
      %run_scoped3A = tpu.sem_alloc : memref<!tpu.dma_semaphore, #tpu.memory_space<semaphore_mem>>
      %dma_start3A_49 = tpu.memref_slice %arg3[%mul3A_2] : memref<4096xi32, #tpu.memory_space<hbm>> -> memref<128xi32, #tpu.memory_space<hbm>>
      %dma_start3A_50 = tpu.memref_slice %arg3[%mul3A_2] : memref<4096xi32, #tpu.memory_space<hbm>> -> memref<128xi32, #tpu.memory_space<hbm>>
      tpu.enqueue_dma source(%dma_start3A_50 : memref<128xi32, #tpu.memory_space<hbm>>) target(%arg5 : memref<128xi32, #tpu.memory_space<vmem>>) target_semaphore(%run_scoped3A : memref<!tpu.dma_semaphore, #tpu.memory_space<semaphore_mem>>)
      %dma_wait3A = tpu.memref_slice %arg3[%mul3A_2] : memref<4096xi32, #tpu.memory_space<hbm>> -> memref<128xi32, #tpu.memory_space<hbm>>
      %dma_wait3A_51 = tpu.memref_slice %arg3[%mul3A_2] : memref<4096xi32, #tpu.memory_space<hbm>> -> memref<128xi32, #tpu.memory_space<hbm>>
      tpu.wait_dma2 semaphore(%run_scoped3A : memref<!tpu.dma_semaphore, #tpu.memory_space<semaphore_mem>>) src(%dma_wait3A_51 : memref<128xi32, #tpu.memory_space<hbm>>) dst(%arg5 : memref<128xi32, #tpu.memory_space<vmem>>)
      tpu.yield
    }) : () -> ()
    %iota3A = tpu.iota {dimensions = array<i32: 0>} : vector<16xi32>
    %add3A_3 = arith.constant 16 : i32
    %add3A_4 = vector.broadcast %add3A_3 : i32 to vector<16xi32>
    %add3A_5 = arith.addi %iota3A, %add3A_4 : vector<16xi32>
    %get3A = arith.constant 0 : index
    %get3A_6 = tpu.vector_load %arg5[%get3A] {strides = array<i32>} : memref<128xi32, #tpu.memory_space<vmem>>, vector<16xi32>,
    %mul3A_7 = arith.constant 4096 : i32
    %mul3A_8 = vector.broadcast %mul3A_7 : i32 to vector<16xi32>
    %mul3A_9 = arith.muli %get3A_6, %mul3A_8 : vector<16xi32>
    %add3A_10 = arith.constant 0 : i32
    %add3A_11 = arith.addi %mul3A_2, %add3A_10 : i32
    %add3A_12 = arith.constant 0 : i32
    %add3A_13 = arith.addi %add3A_11, %add3A_12 : i32
    %add3A_14 = vector.broadcast %add3A_13 : i32 to vector<16xi32>
    %add3A_15 = arith.addi %add3A_14, %iota3A : vector<16xi32>
    %add3A_16 = arith.addi %mul3A_9, %add3A_15 : vector<16xi32>
    %dma_start3A = arith.constant 0 : i32
    %dma_start3A_17 = arith.constant 0 : i32
    %dma_start3A_18 = arith.constant 0 : i32
    %dma_start3A_19 = tpu.memref_slice %arg6[%dma_start3A, %dma_start3A_17, %dma_start3A_18] : memref<3x16x1024xf32, #tpu.memory_space<vmem>> -> memref<1x16x1024xf32, #tpu.memory_space<vmem>>
    %dma_start3A_20 = tpu.memref_squeeze %dma_start3A_19 : memref<1x16x1024xf32, #tpu.memory_space<vmem>> -> memref<16x1024xf32, #tpu.memory_space<vmem>>
    %dma_start3A_21 = arith.constant 0 : i32
    %dma_start3A_22 = arith.constant 0 : i32
    %dma_start3A_23 = tpu.memref_slice %arg2[%dma_start3A_21, %dma_start3A_22] : memref<106496x1024xf32, #tpu.memory_space<hbm>> -> memref<106496x1024xf32, #tpu.memory_space<hbm>>
    tpu.enqueue_indirect_dma source(%dma_start3A_23 : memref<106496x1024xf32, #tpu.memory_space<hbm>>) target(%dma_start3A_20 : memref<16x1024xf32, #tpu.memory_space<vmem>>) offsets(%add3A_16 : vector<16xi32>) semaphore(%arg8 : memref<!tpu.dma_semaphore, #tpu.memory_space<semaphore_mem>>)
    %get3A_24 = arith.constant 16 : index
    %get3A_25 = tpu.vector_load %arg5[%get3A_24] {strides = array<i32>} : memref<128xi32, #tpu.memory_space<vmem>>, vector<16xi32>,
    %mul3A_26 = arith.constant 4096 : i32
    %mul3A_27 = vector.broadcast %mul3A_26 : i32 to vector<16xi32>
    %mul3A_28 = arith.muli %get3A_25, %mul3A_27 : vector<16xi32>
    %add3A_29 = arith.constant 16 : i32
    %add3A_30 = arith.addi %mul3A_2, %add3A_29 : i32
    %add3A_31 = arith.constant 0 : i32
    %add3A_32 = arith.addi %add3A_30, %add3A_31 : i32
    %add3A_33 = vector.broadcast %add3A_32 : i32 to vector<16xi32>
    %add3A_34 = arith.addi %add3A_33, %iota3A : vector<16xi32>
    %add3A_35 = arith.addi %mul3A_28, %add3A_34 : vector<16xi32>
    %dma_start3A_36 = arith.constant 1 : i32
    %dma_start3A_37 = arith.constant 0 : i32
    %dma_start3A_38 = arith.constant 0 : i32
    %dma_start3A_39 = tpu.memref_slice %arg6[%dma_start3A_36, %dma_start3A_37, %dma_start3A_38] : memref<3x16x1024xf32, #tpu.memory_space<vmem>> -> memref<1x16x1024xf32, #tpu.memory_space<vmem>>
    %dma_start3A_40 = tpu.memref_squeeze %dma_start3A_39 : memref<1x16x1024xf32, #tpu.memory_space<vmem>> -> memref<16x1024xf32, #tpu.memory_space<vmem>>
    %dma_start3A_41 = arith.constant 0 : i32
    %dma_start3A_42 = arith.constant 0 : i32
    %dma_start3A_43 = tpu.memref_slice %arg2[%dma_start3A_41, %dma_start3A_42] : memref<106496x1024xf32, #tpu.memory_space<hbm>> -> memref<106496x1024xf32, #tpu.memory_space<hbm>>
    tpu.enqueue_indirect_dma source(%dma_start3A_43 : memref<106496x1024xf32, #tpu.memory_space<hbm>>) target(%dma_start3A_40 : memref<16x1024xf32, #tpu.memory_space<vmem>>) offsets(%add3A_35 : vector<16xi32>) semaphore(%arg9 : memref<!tpu.dma_semaphore, #tpu.memory_space<semaphore_mem>>)
    %scan3A = arith.constant 0 : i32
    %scan3A_44 = arith.constant 0 : i32
    %scan3A_45 = arith.constant 8 : i32
    %scan3A_46 = arith.addi %scan3A_44, %scan3A_45 : i32
    %scan3A_47 = arith.constant 1 : i32
    scf.for %scan3A_49 = %scan3A_44 to %scan3A_46 step %scan3A_47  : i32 {
      %rem3A = arith.constant 3 : i32
      %rem3A_50 = arith.remsi %scan3A_49, %rem3A : i32
      %add3A_51 = arith.constant 2 : i32
      %add3A_52 = arith.addi %scan3A_49, %add3A_51 : i32
      %lt3A = arith.constant 8 : i32
      %lt3A_53 = arith.cmpi slt, %add3A_52, %lt3A : i32
      %convert_element_type3A = arith.extui %lt3A_53 : i1 to i32
      %cond3A = arith.constant 0 : i32
      %cond3A_54 = arith.cmpi ne, %convert_element_type3A, %cond3A : i32
      scf.if %cond3A_54 {
        %add3A_76 = arith.constant 2 : i32
        %add3A_77 = arith.addi %scan3A_49, %add3A_76 : i32
        %rem3A_78 = arith.constant 3 : i32
        %rem3A_79 = arith.remsi %add3A_77, %rem3A_78 : i32
        %eq3A_80 = arith.constant 0 : i32
        %eq3A_81 = arith.cmpi eq, %rem3A_79, %eq3A_80 : i32
        %convert_element_type3A_82 = arith.extui %eq3A_81 : i1 to i32
        %cond3A_83 = arith.constant 0 : i32
        %cond3A_84 = arith.cmpi ne, %convert_element_type3A_82, %cond3A_83 : i32
        scf.if %cond3A_84 {
          %add3A_95 = arith.constant 2 : i32
          %add3A_96 = arith.addi %scan3A_49, %add3A_95 : i32
          %mul3A_97 = arith.constant 16 : i32
          %mul3A_98 = arith.muli %add3A_96, %mul3A_97 : i32
          %add3A_99 = arith.constant 0 : i32
          %add3A_100 = arith.addi %mul3A_98, %add3A_99 : i32
          %get3A_101 = arith.index_cast %add3A_100 : i32 to index
          %get3A_102 = tpu.vector_load %arg5[%get3A_101] {strides = array<i32>} : memref<128xi32, #tpu.memory_space<vmem>>, vector<16xi32>,
          %mul3A_103 = arith.constant 4096 : i32
          %mul3A_104 = vector.broadcast %mul3A_103 : i32 to vector<16xi32>
          %mul3A_105 = arith.muli %get3A_102, %mul3A_104 : vector<16xi32>
          %mul3A_106 = arith.constant 16 : i32
          %mul3A_107 = arith.muli %add3A_96, %mul3A_106 : i32
          %add3A_108 = arith.addi %mul3A_2, %mul3A_107 : i32
          %add3A_109 = arith.constant 0 : i32
          %add3A_110 = arith.addi %add3A_108, %add3A_109 : i32
          %add3A_111 = vector.broadcast %add3A_110 : i32 to vector<16xi32>
          %add3A_112 = arith.addi %add3A_111, %iota3A : vector<16xi32>
          %add3A_113 = arith.addi %mul3A_105, %add3A_112 : vector<16xi32>
          %dma_start3A_114 = arith.constant 0 : i32
          %dma_start3A_115 = arith.constant 0 : i32
          %dma_start3A_116 = tpu.memref_slice %arg6[%rem3A_79, %dma_start3A_114, %dma_start3A_115] : memref<3x16x1024xf32, #tpu.memory_space<vmem>> -> memref<1x16x1024xf32, #tpu.memory_space<vmem>>
          %dma_start3A_117 = tpu.memref_squeeze %dma_start3A_116 : memref<1x16x1024xf32, #tpu.memory_space<vmem>> -> memref<16x1024xf32, #tpu.memory_space<vmem>>
          %dma_start3A_118 = arith.constant 0 : i32
          %dma_start3A_119 = arith.constant 0 : i32
          %dma_start3A_120 = tpu.memref_slice %arg2[%dma_start3A_118, %dma_start3A_119] : memref<106496x1024xf32, #tpu.memory_space<hbm>> -> memref<106496x1024xf32, #tpu.memory_space<hbm>>
          tpu.enqueue_indirect_dma source(%dma_start3A_120 : memref<106496x1024xf32, #tpu.memory_space<hbm>>) target(%dma_start3A_117 : memref<16x1024xf32, #tpu.memory_space<vmem>>) offsets(%add3A_113 : vector<16xi32>) semaphore(%arg8 : memref<!tpu.dma_semaphore, #tpu.memory_space<semaphore_mem>>)
        } else {
        }
        %eq3A_85 = arith.constant 1 : i32
        %eq3A_86 = arith.cmpi eq, %rem3A_79, %eq3A_85 : i32
        %convert_element_type3A_87 = arith.extui %eq3A_86 : i1 to i32
        %cond3A_88 = arith.constant 0 : i32
        %cond3A_89 = arith.cmpi ne, %convert_element_type3A_87, %cond3A_88 : i32
        scf.if %cond3A_89 {
          %add3A_95 = arith.constant 2 : i32
          %add3A_96 = arith.addi %scan3A_49, %add3A_95 : i32
          %mul3A_97 = arith.constant 16 : i32
          %mul3A_98 = arith.muli %add3A_96, %mul3A_97 : i32
          %add3A_99 = arith.constant 0 : i32
          %add3A_100 = arith.addi %mul3A_98, %add3A_99 : i32
          %get3A_101 = arith.index_cast %add3A_100 : i32 to index
          %get3A_102 = tpu.vector_load %arg5[%get3A_101] {strides = array<i32>} : memref<128xi32, #tpu.memory_space<vmem>>, vector<16xi32>,
          %mul3A_103 = arith.constant 4096 : i32
          %mul3A_104 = vector.broadcast %mul3A_103 : i32 to vector<16xi32>
          %mul3A_105 = arith.muli %get3A_102, %mul3A_104 : vector<16xi32>
          %mul3A_106 = arith.constant 16 : i32
          %mul3A_107 = arith.muli %add3A_96, %mul3A_106 : i32
          %add3A_108 = arith.addi %mul3A_2, %mul3A_107 : i32
          %add3A_109 = arith.constant 0 : i32
          %add3A_110 = arith.addi %add3A_108, %add3A_109 : i32
          %add3A_111 = vector.broadcast %add3A_110 : i32 to vector<16xi32>
          %add3A_112 = arith.addi %add3A_111, %iota3A : vector<16xi32>
          %add3A_113 = arith.addi %mul3A_105, %add3A_112 : vector<16xi32>
          %dma_start3A_114 = arith.constant 0 : i32
          %dma_start3A_115 = arith.constant 0 : i32
          %dma_start3A_116 = tpu.memref_slice %arg6[%rem3A_79, %dma_start3A_114, %dma_start3A_115] : memref<3x16x1024xf32, #tpu.memory_space<vmem>> -> memref<1x16x1024xf32, #tpu.memory_space<vmem>>
          %dma_start3A_117 = tpu.memref_squeeze %dma_start3A_116 : memref<1x16x1024xf32, #tpu.memory_space<vmem>> -> memref<16x1024xf32, #tpu.memory_space<vmem>>
          %dma_start3A_118 = arith.constant 0 : i32
          %dma_start3A_119 = arith.constant 0 : i32
          %dma_start3A_120 = tpu.memref_slice %arg2[%dma_start3A_118, %dma_start3A_119] : memref<106496x1024xf32, #tpu.memory_space<hbm>> -> memref<106496x1024xf32, #tpu.memory_space<hbm>>
          tpu.enqueue_indirect_dma source(%dma_start3A_120 : memref<106496x1024xf32, #tpu.memory_space<hbm>>) target(%dma_start3A_117 : memref<16x1024xf32, #tpu.memory_space<vmem>>) offsets(%add3A_113 : vector<16xi32>) semaphore(%arg9 : memref<!tpu.dma_semaphore, #tpu.memory_space<semaphore_mem>>)
        } else {
        }
        %eq3A_90 = arith.constant 2 : i32
        %eq3A_91 = arith.cmpi eq, %rem3A_79, %eq3A_90 : i32
        %convert_element_type3A_92 = arith.extui %eq3A_91 : i1 to i32
        %cond3A_93 = arith.constant 0 : i32
        %cond3A_94 = arith.cmpi ne, %convert_element_type3A_92, %cond3A_93 : i32
        scf.if %cond3A_94 {
          %add3A_95 = arith.constant 2 : i32
          %add3A_96 = arith.addi %scan3A_49, %add3A_95 : i32
          %mul3A_97 = arith.constant 16 : i32
          %mul3A_98 = arith.muli %add3A_96, %mul3A_97 : i32
          %add3A_99 = arith.constant 0 : i32
          %add3A_100 = arith.addi %mul3A_98, %add3A_99 : i32
          %get3A_101 = arith.index_cast %add3A_100 : i32 to index
          %get3A_102 = tpu.vector_load %arg5[%get3A_101] {strides = array<i32>} : memref<128xi32, #tpu.memory_space<vmem>>, vector<16xi32>,
          %mul3A_103 = arith.constant 4096 : i32
          %mul3A_104 = vector.broadcast %mul3A_103 : i32 to vector<16xi32>
          %mul3A_105 = arith.muli %get3A_102, %mul3A_104 : vector<16xi32>
          %mul3A_106 = arith.constant 16 : i32
          %mul3A_107 = arith.muli %add3A_96, %mul3A_106 : i32
          %add3A_108 = arith.addi %mul3A_2, %mul3A_107 : i32
          %add3A_109 = arith.constant 0 : i32
          %add3A_110 = arith.addi %add3A_108, %add3A_109 : i32
          %add3A_111 = vector.broadcast %add3A_110 : i32 to vector<16xi32>
          %add3A_112 = arith.addi %add3A_111, %iota3A : vector<16xi32>
          %add3A_113 = arith.addi %mul3A_105, %add3A_112 : vector<16xi32>
          %dma_start3A_114 = arith.constant 0 : i32
          %dma_start3A_115 = arith.constant 0 : i32
          %dma_start3A_116 = tpu.memref_slice %arg6[%rem3A_79, %dma_start3A_114, %dma_start3A_115] : memref<3x16x1024xf32, #tpu.memory_space<vmem>> -> memref<1x16x1024xf32, #tpu.memory_space<vmem>>
          %dma_start3A_117 = tpu.memref_squeeze %dma_start3A_116 : memref<1x16x1024xf32, #tpu.memory_space<vmem>> -> memref<16x1024xf32, #tpu.memory_space<vmem>>
          %dma_start3A_118 = arith.constant 0 : i32
          %dma_start3A_119 = arith.constant 0 : i32
          %dma_start3A_120 = tpu.memref_slice %arg2[%dma_start3A_118, %dma_start3A_119] : memref<106496x1024xf32, #tpu.memory_space<hbm>> -> memref<106496x1024xf32, #tpu.memory_space<hbm>>
          tpu.enqueue_indirect_dma source(%dma_start3A_120 : memref<106496x1024xf32, #tpu.memory_space<hbm>>) target(%dma_start3A_117 : memref<16x1024xf32, #tpu.memory_space<vmem>>) offsets(%add3A_113 : vector<16xi32>) semaphore(%arg10 : memref<!tpu.dma_semaphore, #tpu.memory_space<semaphore_mem>>)
        } else {
        }
      } else {
      }
      %eq3A = arith.constant 0 : i32
      %eq3A_55 = arith.cmpi eq, %rem3A_50, %eq3A : i32
      %convert_element_type3A_56 = arith.extui %eq3A_55 : i1 to i32
      %cond3A_57 = arith.constant 0 : i32
      %cond3A_58 = arith.cmpi ne, %convert_element_type3A_56, %cond3A_57 : i32
      scf.if %cond3A_58 {
        %dma_wait3A = arith.constant 0 : i32
        %dma_wait3A_76 = arith.constant 0 : i32
        %dma_wait3A_77 = tpu.memref_slice %arg6[%rem3A_50, %dma_wait3A, %dma_wait3A_76] : memref<3x16x1024xf32, #tpu.memory_space<vmem>> -> memref<1x16x1024xf32, #tpu.memory_space<vmem>>
        %dma_wait3A_78 = tpu.memref_squeeze %dma_wait3A_77 : memref<1x16x1024xf32, #tpu.memory_space<vmem>> -> memref<16x1024xf32, #tpu.memory_space<vmem>>
        %dma_wait3A_79 = arith.constant 0 : i32
        %dma_wait3A_80 = arith.constant 0 : i32
        %dma_wait3A_81 = tpu.memref_slice %arg2[%dma_wait3A_79, %dma_wait3A_80] : memref<106496x1024xf32, #tpu.memory_space<hbm>> -> memref<16x1024xf32, #tpu.memory_space<hbm>>
        %dma_wait3A_82 = arith.constant 0 : i32
        %dma_wait3A_83 = arith.constant 0 : i32
        %dma_wait3A_84 = tpu.memref_slice %arg6[%rem3A_50, %dma_wait3A_82, %dma_wait3A_83] : memref<3x16x1024xf32, #tpu.memory_space<vmem>> -> memref<1x16x1024xf32, #tpu.memory_space<vmem>>
        %dma_wait3A_85 = tpu.memref_squeeze %dma_wait3A_84 : memref<1x16x1024xf32, #tpu.memory_space<vmem>> -> memref<16x1024xf32, #tpu.memory_space<vmem>>
        %dma_wait3A_86 = arith.constant 0 : i32
        %dma_wait3A_87 = arith.constant 0 : i32
        %dma_wait3A_88 = tpu.memref_slice %arg2[%dma_wait3A_86, %dma_wait3A_87] : memref<106496x1024xf32, #tpu.memory_space<hbm>> -> memref<16x1024xf32, #tpu.memory_space<hbm>>
        tpu.wait_dma2 semaphore(%arg8 : memref<!tpu.dma_semaphore, #tpu.memory_space<semaphore_mem>>) src(%dma_wait3A_88 : memref<16x1024xf32, #tpu.memory_space<hbm>>) dst(%dma_wait3A_85 : memref<16x1024xf32, #tpu.memory_space<vmem>>)
      } else {
      }
      %eq3A_59 = arith.constant 1 : i32
      %eq3A_60 = arith.cmpi eq, %rem3A_50, %eq3A_59 : i32
      %convert_element_type3A_61 = arith.extui %eq3A_60 : i1 to i32
      %cond3A_62 = arith.constant 0 : i32
      %cond3A_63 = arith.cmpi ne, %convert_element_type3A_61, %cond3A_62 : i32
      scf.if %cond3A_63 {
        %dma_wait3A = arith.constant 0 : i32
        %dma_wait3A_76 = arith.constant 0 : i32
        %dma_wait3A_77 = tpu.memref_slice %arg6[%rem3A_50, %dma_wait3A, %dma_wait3A_76] : memref<3x16x1024xf32, #tpu.memory_space<vmem>> -> memref<1x16x1024xf32, #tpu.memory_space<vmem>>
        %dma_wait3A_78 = tpu.memref_squeeze %dma_wait3A_77 : memref<1x16x1024xf32, #tpu.memory_space<vmem>> -> memref<16x1024xf32, #tpu.memory_space<vmem>>
        %dma_wait3A_79 = arith.constant 0 : i32
        %dma_wait3A_80 = arith.constant 0 : i32
        %dma_wait3A_81 = tpu.memref_slice %arg2[%dma_wait3A_79, %dma_wait3A_80] : memref<106496x1024xf32, #tpu.memory_space<hbm>> -> memref<16x1024xf32, #tpu.memory_space<hbm>>
        %dma_wait3A_82 = arith.constant 0 : i32
        %dma_wait3A_83 = arith.constant 0 : i32
        %dma_wait3A_84 = tpu.memref_slice %arg6[%rem3A_50, %dma_wait3A_82, %dma_wait3A_83] : memref<3x16x1024xf32, #tpu.memory_space<vmem>> -> memref<1x16x1024xf32, #tpu.memory_space<vmem>>
        %dma_wait3A_85 = tpu.memref_squeeze %dma_wait3A_84 : memref<1x16x1024xf32, #tpu.memory_space<vmem>> -> memref<16x1024xf32, #tpu.memory_space<vmem>>
        %dma_wait3A_86 = arith.constant 0 : i32
        %dma_wait3A_87 = arith.constant 0 : i32
        %dma_wait3A_88 = tpu.memref_slice %arg2[%dma_wait3A_86, %dma_wait3A_87] : memref<106496x1024xf32, #tpu.memory_space<hbm>> -> memref<16x1024xf32, #tpu.memory_space<hbm>>
        tpu.wait_dma2 semaphore(%arg9 : memref<!tpu.dma_semaphore, #tpu.memory_space<semaphore_mem>>) src(%dma_wait3A_88 : memref<16x1024xf32, #tpu.memory_space<hbm>>) dst(%dma_wait3A_85 : memref<16x1024xf32, #tpu.memory_space<vmem>>)
      } else {
      }
      %eq3A_64 = arith.constant 2 : i32
      %eq3A_65 = arith.cmpi eq, %rem3A_50, %eq3A_64 : i32
      %convert_element_type3A_66 = arith.extui %eq3A_65 : i1 to i32
      %cond3A_67 = arith.constant 0 : i32
      %cond3A_68 = arith.cmpi ne, %convert_element_type3A_66, %cond3A_67 : i32
      scf.if %cond3A_68 {
        %dma_wait3A = arith.constant 0 : i32
        %dma_wait3A_76 = arith.constant 0 : i32
        %dma_wait3A_77 = tpu.memref_slice %arg6[%rem3A_50, %dma_wait3A, %dma_wait3A_76] : memref<3x16x1024xf32, #tpu.memory_space<vmem>> -> memref<1x16x1024xf32, #tpu.memory_space<vmem>>
        %dma_wait3A_78 = tpu.memref_squeeze %dma_wait3A_77 : memref<1x16x1024xf32, #tpu.memory_space<vmem>> -> memref<16x1024xf32, #tpu.memory_space<vmem>>
        %dma_wait3A_79 = arith.constant 0 : i32
        %dma_wait3A_80 = arith.constant 0 : i32
        %dma_wait3A_81 = tpu.memref_slice %arg2[%dma_wait3A_79, %dma_wait3A_80] : memref<106496x1024xf32, #tpu.memory_space<hbm>> -> memref<16x1024xf32, #tpu.memory_space<hbm>>
        %dma_wait3A_82 = arith.constant 0 : i32
        %dma_wait3A_83 = arith.constant 0 : i32
        %dma_wait3A_84 = tpu.memref_slice %arg6[%rem3A_50, %dma_wait3A_82, %dma_wait3A_83] : memref<3x16x1024xf32, #tpu.memory_space<vmem>> -> memref<1x16x1024xf32, #tpu.memory_space<vmem>>
        %dma_wait3A_85 = tpu.memref_squeeze %dma_wait3A_84 : memref<1x16x1024xf32, #tpu.memory_space<vmem>> -> memref<16x1024xf32, #tpu.memory_space<vmem>>
        %dma_wait3A_86 = arith.constant 0 : i32
        %dma_wait3A_87 = arith.constant 0 : i32
        %dma_wait3A_88 = tpu.memref_slice %arg2[%dma_wait3A_86, %dma_wait3A_87] : memref<106496x1024xf32, #tpu.memory_space<hbm>> -> memref<16x1024xf32, #tpu.memory_space<hbm>>
        tpu.wait_dma2 semaphore(%arg10 : memref<!tpu.dma_semaphore, #tpu.memory_space<semaphore_mem>>) src(%dma_wait3A_88 : memref<16x1024xf32, #tpu.memory_space<hbm>>) dst(%dma_wait3A_85 : memref<16x1024xf32, #tpu.memory_space<vmem>>)
      } else {
      }
      %broadcast_in_dim3A = arith.constant 0x7F800000 : f32
      %broadcast_in_dim3A_69 = vector.broadcast %broadcast_in_dim3A : f32 to vector<16xf32>
      %scan3A_70 = arith.constant 0 : i32
      %scan3A_71 = arith.constant 0 : i32
      %scan3A_72 = arith.constant 2 : i32
      %scan3A_73 = arith.addi %scan3A_71, %scan3A_72 : i32
      %scan3A_74 = arith.constant 1 : i32
      scf.for %scan3A_76 = %scan3A_71 to %scan3A_73 step %scan3A_74  : i32 {
        %mul3A_77 = arith.constant 8 : i32
        %mul3A_78 = arith.muli %mul3A_77, %scan3A_76 : i32
        %add3A_79 = arith.constant 0 : i32
        %add3A_80 = arith.addi %mul3A_78, %add3A_79 : i32
        %mul3A_81 = arith.constant 8 : i32
        %mul3A_82 = arith.muli %mul3A_81, %scan3A_76 : i32
        %add3A_83 = arith.constant 1 : i32
        %add3A_84 = arith.addi %mul3A_82, %add3A_83 : i32
        %mul3A_85 = arith.constant 8 : i32
        %mul3A_86 = arith.muli %mul3A_85, %scan3A_76 : i32
        %add3A_87 = arith.constant 2 : i32
        %add3A_88 = arith.addi %mul3A_86, %add3A_87 : i32
        %mul3A_89 = arith.constant 8 : i32
        %mul3A_90 = arith.muli %mul3A_89, %scan3A_76 : i32
        %add3A_91 = arith.constant 3 : i32
        %add3A_92 = arith.addi %mul3A_90, %add3A_91 : i32
        %mul3A_93 = arith.constant 8 : i32
        %mul3A_94 = arith.muli %mul3A_93, %scan3A_76 : i32
        %add3A_95 = arith.constant 4 : i32
        %add3A_96 = arith.addi %mul3A_94, %add3A_95 : i32
        %mul3A_97 = arith.constant 8 : i32
        %mul3A_98 = arith.muli %mul3A_97, %scan3A_76 : i32
        %add3A_99 = arith.constant 5 : i32
        %add3A_100 = arith.addi %mul3A_98, %add3A_99 : i32
        %mul3A_101 = arith.constant 8 : i32
        %mul3A_102 = arith.muli %mul3A_101, %scan3A_76 : i32
        %add3A_103 = arith.constant 6 : i32
        %add3A_104 = arith.addi %mul3A_102, %add3A_103 : i32
        %mul3A_105 = arith.constant 8 : i32
        %mul3A_106 = arith.muli %mul3A_105, %scan3A_76 : i32
        %add3A_107 = arith.constant 7 : i32
        %add3A_108 = arith.addi %mul3A_106, %add3A_107 : i32
        %scan3A_109 = arith.constant 0 : i32
        %scan3A_110 = arith.constant 16 : i32
        %scan3A_111 = arith.addi %scan3A_109, %scan3A_110 : i32
        %scan3A_112 = arith.constant 1 : i32
        %scan3A_113:16 = scf.for %scan3A_147 = %scan3A_109 to %scan3A_111 step %scan3A_112 iter_args(%scan3A_148 = %broadcast_in_dim3A_69, %scan3A_149 = %broadcast_in_dim3A_69, %scan3A_150 = %broadcast_in_dim3A_69, %scan3A_151 = %broadcast_in_dim3A_69, %scan3A_152 = %broadcast_in_dim3A_69, %scan3A_153 = %broadcast_in_dim3A_69, %scan3A_154 = %broadcast_in_dim3A_69, %scan3A_155 = %broadcast_in_dim3A_69, %scan3A_156 = %broadcast_in_dim3A_69, %scan3A_157 = %broadcast_in_dim3A_69, %scan3A_158 = %broadcast_in_dim3A_69, %scan3A_159 = %broadcast_in_dim3A_69, %scan3A_160 = %broadcast_in_dim3A_69, %scan3A_161 = %broadcast_in_dim3A_69, %scan3A_162 = %broadcast_in_dim3A_69, %scan3A_163 = %broadcast_in_dim3A_69) -> (vector<16xf32>, vector<16xf32>, vector<16xf32>, vector<16xf32>, vector<16xf32>, vector<16xf32>, vector<16xf32>, vector<16xf32>, vector<16xf32>, vector<16xf32>, vector<16xf32>, vector<16xf32>, vector<16xf32>, vector<16xf32>, vector<16xf32>, vector<16xf32>)  : i32 {
          %mul3A_164 = arith.constant 64 : i32
          %mul3A_165 = arith.muli %scan3A_147, %mul3A_164 : i32
          %get3A_166 = arith.index_cast %rem3A_50 : i32 to index
          %get3A_167 = arith.index_cast %add3A_80 : i32 to index
          %get3A_168 = arith.index_cast %mul3A_165 : i32 to index
          %get3A_169 = tpu.vector_load %arg6[%get3A_166, %get3A_167, %get3A_168] {strides = array<i32>} : memref<3x16x1024xf32, #tpu.memory_space<vmem>>, vector<16xf32>,
          %add3A_170 = arith.constant 16 : i32
          %add3A_171 = arith.addi %mul3A_165, %add3A_170 : i32
          %get3A_172 = arith.index_cast %rem3A_50 : i32 to index
          %get3A_173 = arith.index_cast %add3A_80 : i32 to index
          %get3A_174 = arith.index_cast %add3A_171 : i32 to index
          %get3A_175 = tpu.vector_load %arg6[%get3A_172, %get3A_173, %get3A_174] {strides = array<i32>} : memref<3x16x1024xf32, #tpu.memory_space<vmem>>, vector<16xf32>,
          %masked_sort3A = arith.constant dense<true> : vector<16xi1>
          %masked_sort3A_176, %masked_sort3A_177, %masked_sort3A_178 = tpu.sort %get3A_169, %get3A_169 masked %masked_sort3A : (vector<16xf32>, vector<16xf32>, vector<16xi1>) -> (vector<16xi1>, vector<16xf32>, vector<16xf32>)
          %masked_sort3A_179 = arith.constant dense<true> : vector<16xi1>
          %masked_sort3A_180, %masked_sort3A_181, %masked_sort3A_182 = tpu.sort %get3A_175, %get3A_175 masked %masked_sort3A_179 {descending = true} : (vector<16xf32>, vector<16xf32>, vector<16xi1>) -> (vector<16xi1>, vector<16xf32>, vector<16xf32>)
          %min3A = arith.minimumf %masked_sort3A_177, %masked_sort3A_181 : vector<16xf32>
          %masked_sort3A_183 = arith.constant dense<true> : vector<16xi1>
          %masked_sort3A_184, %masked_sort3A_185, %masked_sort3A_186 = tpu.sort %min3A, %min3A masked %masked_sort3A_183 {descending = true} : (vector<16xf32>, vector<16xf32>, vector<16xi1>) -> (vector<16xi1>, vector<16xf32>, vector<16xf32>)
          %max3A = arith.maximumf %masked_sort3A_177, %masked_sort3A_181 : vector<16xf32>
          %masked_sort3A_187 = arith.constant dense<true> : vector<16xi1>
          %masked_sort3A_188, %masked_sort3A_189, %masked_sort3A_190 = tpu.sort %max3A, %max3A masked %masked_sort3A_187 {descending = true} : (vector<16xf32>, vector<16xf32>, vector<16xi1>) -> (vector<16xi1>, vector<16xf32>, vector<16xf32>)
          %min3A_191 = arith.minimumf %scan3A_148, %masked_sort3A_189 : vector<16xf32>
          %min3A_192 = arith.minimumf %scan3A_149, %masked_sort3A_185 : vector<16xf32>
          %min3A_193 = arith.minimumf %min3A_191, %min3A_192 : vector<16xf32>
          %max3A_194 = arith.maximumf %min3A_191, %min3A_192 : vector<16xf32>
          %masked_sort3A_195 = arith.constant dense<true> : vector<16xi1>
          %masked_sort3A_196, %masked_sort3A_197, %masked_sort3A_198 = tpu.sort %min3A_193, %min3A_193 masked %masked_sort3A_195 : (vector<16xf32>, vector<16xf32>, vector<16xi1>) -> (vector<16xi1>, vector<16xf32>, vector<16xf32>)
          %masked_sort3A_199 = arith.constant dense<true> : vector<16xi1>
          %masked_sort3A_200, %masked_sort3A_201, %masked_sort3A_202 = tpu.sort %max3A_194, %max3A_194 masked %masked_sort3A_199 : (vector<16xf32>, vector<16xf32>, vector<16xi1>) -> (vector<16xi1>, vector<16xf32>, vector<16xf32>)
          %add3A_203 = arith.constant 32 : i32
          %add3A_204 = arith.addi %mul3A_165, %add3A_203 : i32
          %get3A_205 = arith.index_cast %rem3A_50 : i32 to index
          %get3A_206 = arith.index_cast %add3A_80 : i32 to index
          %get3A_207 = arith.index_cast %add3A_204 : i32 to index
          %get3A_208 = tpu.vector_load %arg6[%get3A_205, %get3A_206, %get3A_207] {strides = array<i32>} : memref<3x16x1024xf32, #tpu.memory_space<vmem>>, vector<16xf32>,
          %add3A_209 = arith.constant 48 : i32
          %add3A_210 = arith.addi %mul3A_165, %add3A_209 : i32
          %get3A_211 = arith.index_cast %rem3A_50 : i32 to index
          %get3A_212 = arith.index_cast %add3A_80 : i32 to index
          %get3A_213 = arith.index_cast %add3A_210 : i32 to index
          %get3A_214 = tpu.vector_load %arg6[%get3A_211, %get3A_212, %get3A_213] {strides = array<i32>} : memref<3x16x1024xf32, #tpu.memory_space<vmem>>, vector<16xf32>,
          %masked_sort3A_215 = arith.constant dense<true> : vector<16xi1>
          %masked_sort3A_216, %masked_sort3A_217, %masked_sort3A_218 = tpu.sort %get3A_208, %get3A_208 masked %masked_sort3A_215 : (vector<16xf32>, vector<16xf32>, vector<16xi1>) -> (vector<16xi1>, vector<16xf32>, vector<16xf32>)
          %masked_sort3A_219 = arith.constant dense<true> : vector<16xi1>
          %masked_sort3A_220, %masked_sort3A_221, %masked_sort3A_222 = tpu.sort %get3A_214, %get3A_214 masked %masked_sort3A_219 {descending = true} : (vector<16xf32>, vector<16xf32>, vector<16xi1>) -> (vector<16xi1>, vector<16xf32>, vector<16xf32>)
          %min3A_223 = arith.minimumf %masked_sort3A_217, %masked_sort3A_221 : vector<16xf32>
          %masked_sort3A_224 = arith.constant dense<true> : vector<16xi1>
          %masked_sort3A_225, %masked_sort3A_226, %masked_sort3A_227 = tpu.sort %min3A_223, %min3A_223 masked %masked_sort3A_224 {descending = true} : (vector<16xf32>, vector<16xf32>, vector<16xi1>) -> (vector<16xi1>, vector<16xf32>, vector<16xf32>)
          %max3A_228 = arith.maximumf %masked_sort3A_217, %masked_sort3A_221 : vector<16xf32>
          %masked_sort3A_229 = arith.constant dense<true> : vector<16xi1>
          %masked_sort3A_230, %masked_sort3A_231, %masked_sort3A_232 = tpu.sort %max3A_228, %max3A_228 masked %masked_sort3A_229 {descending = true} : (vector<16xf32>, vector<16xf32>, vector<16xi1>) -> (vector<16xi1>, vector<16xf32>, vector<16xf32>)
          %min3A_233 = arith.minimumf %masked_sort3A_197, %masked_sort3A_231 : vector<16xf32>
          %min3A_234 = arith.minimumf %masked_sort3A_201, %masked_sort3A_226 : vector<16xf32>
          %min3A_235 = arith.minimumf %min3A_233, %min3A_234 : vector<16xf32>
          %max3A_236 = arith.maximumf %min3A_233, %min3A_234 : vector<16xf32>
          %masked_sort3A_237 = arith.constant dense<true> : vector<16xi1>
          %masked_sort3A_238, %masked_sort3A_239, %masked_sort3A_240 = tpu.sort %min3A_235, %min3A_235 masked %masked_sort3A_237 : (vector<16xf32>, vector<16xf32>, vector<16xi1>) -> (vector<16xi1>, vector<16xf32>, vector<16xf32>)
          %masked_sort3A_241 = arith.constant dense<true> : vector<16xi1>
          %masked_sort3A_242, %masked_sort3A_243, %masked_sort3A_244 = tpu.sort %max3A_236, %max3A_236 masked %masked_sort3A_241 : (vector<16xf32>, vector<16xf32>, vector<16xi1>) -> (vector<16xi1>, vector<16xf32>, vector<16xf32>)
          %get3A_245 = arith.index_cast %rem3A_50 : i32 to index
          %get3A_246 = arith.index_cast %add3A_84 : i32 to index
          %get3A_247 = arith.index_cast %mul3A_165 : i32 to index
          %get3A_248 = tpu.vector_load %arg6[%get3A_245, %get3A_246, %get3A_247] {strides = array<i32>} : memref<3x16x1024xf32, #tpu.memory_space<vmem>>, vector<16xf32>,
          %add3A_249 = arith.constant 16 : i32
          %add3A_250 = arith.addi %mul3A_165, %add3A_249 : i32
          %get3A_251 = arith.index_cast %rem3A_50 : i32 to index
          %get3A_252 = arith.index_cast %add3A_84 : i32 to index
          %get3A_253 = arith.index_cast %add3A_250 : i32 to index
          %get3A_254 = tpu.vector_load %arg6[%get3A_251, %get3A_252, %get3A_253] {strides = array<i32>} : memref<3x16x1024xf32, #tpu.memory_space<vmem>>, vector<16xf32>,
          %masked_sort3A_255 = arith.constant dense<true> : vector<16xi1>
          %masked_sort3A_256, %masked_sort3A_257, %masked_sort3A_258 = tpu.sort %get3A_248, %get3A_248 masked %masked_sort3A_255 : (vector<16xf32>, vector<16xf32>, vector<16xi1>) -> (vector<16xi1>, vector<16xf32>, vector<16xf32>)
          %masked_sort3A_259 = arith.constant dense<true> : vector<16xi1>
          %masked_sort3A_260, %masked_sort3A_261, %masked_sort3A_262 = tpu.sort %get3A_254, %get3A_254 masked %masked_sort3A_259 {descending = true} : (vector<16xf32>, vector<16xf32>, vector<16xi1>) -> (vector<16xi1>, vector<16xf32>, vector<16xf32>)
          %min3A_263 = arith.minimumf %masked_sort3A_257, %masked_sort3A_261 : vector<16xf32>
          %masked_sort3A_264 = arith.constant dense<true> : vector<16xi1>
          %masked_sort3A_265, %masked_sort3A_266, %masked_sort3A_267 = tpu.sort %min3A_263, %min3A_263 masked %masked_sort3A_264 {descending = true} : (vector<16xf32>, vector<16xf32>, vector<16xi1>) -> (vector<16xi1>, vector<16xf32>, vector<16xf32>)
          %max3A_268 = arith.maximumf %masked_sort3A_257, %masked_sort3A_261 : vector<16xf32>
          %masked_sort3A_269 = arith.constant dense<true> : vector<16xi1>
          %masked_sort3A_270, %masked_sort3A_271, %masked_sort3A_272 = tpu.sort %max3A_268, %max3A_268 masked %masked_sort3A_269 {descending = true} : (vector<16xf32>, vector<16xf32>, vector<16xi1>) -> (vector<16xi1>, vector<16xf32>, vector<16xf32>)
          %min3A_273 = arith.minimumf %scan3A_150, %masked_sort3A_271 : vector<16xf32>
          %min3A_274 = arith.minimumf %scan3A_151, %masked_sort3A_266 : vector<16xf32>
          %min3A_275 = arith.minimumf %min3A_273, %min3A_274 : vector<16xf32>
          %max3A_276 = arith.maximumf %min3A_273, %min3A_274 : vector<16xf32>
          %masked_sort3A_277 = arith.constant dense<true> : vector<16xi1>
          %masked_sort3A_278, %masked_sort3A_279, %masked_sort3A_280 = tpu.sort %min3A_275, %min3A_275 masked %masked_sort3A_277 : (vector<16xf32>, vector<16xf32>, vector<16xi1>) -> (vector<16xi1>, vector<16xf32>, vector<16xf32>)
          %masked_sort3A_281 = arith.constant dense<true> : vector<16xi1>
          %masked_sort3A_282, %masked_sort3A_283, %masked_sort3A_284 = tpu.sort %max3A_276, %max3A_276 masked %masked_sort3A_281 : (vector<16xf32>, vector<16xf32>, vector<16xi1>) -> (vector<16xi1>, vector<16xf32>, vector<16xf32>)
          %add3A_285 = arith.constant 32 : i32
          %add3A_286 = arith.addi %mul3A_165, %add3A_285 : i32
          %get3A_287 = arith.index_cast %rem3A_50 : i32 to index
          %get3A_288 = arith.index_cast %add3A_84 : i32 to index
          %get3A_289 = arith.index_cast %add3A_286 : i32 to index
          %get3A_290 = tpu.vector_load %arg6[%get3A_287, %get3A_288, %get3A_289] {strides = array<i32>} : memref<3x16x1024xf32, #tpu.memory_space<vmem>>, vector<16xf32>,
          %add3A_291 = arith.constant 48 : i32
          %add3A_292 = arith.addi %mul3A_165, %add3A_291 : i32
          %get3A_293 = arith.index_cast %rem3A_50 : i32 to index
          %get3A_294 = arith.index_cast %add3A_84 : i32 to index
          %get3A_295 = arith.index_cast %add3A_292 : i32 to index
          %get3A_296 = tpu.vector_load %arg6[%get3A_293, %get3A_294, %get3A_295] {strides = array<i32>} : memref<3x16x1024xf32, #tpu.memory_space<vmem>>, vector<16xf32>,
          %masked_sort3A_297 = arith.constant dense<true> : vector<16xi1>
          %masked_sort3A_298, %masked_sort3A_299, %masked_sort3A_300 = tpu.sort %get3A_290, %get3A_290 masked %masked_sort3A_297 : (vector<16xf32>, vector<16xf32>, vector<16xi1>) -> (vector<16xi1>, vector<16xf32>, vector<16xf32>)
          %masked_sort3A_301 = arith.constant dense<true> : vector<16xi1>
          %masked_sort3A_302, %masked_sort3A_303, %masked_sort3A_304 = tpu.sort %get3A_296, %get3A_296 masked %masked_sort3A_301 {descending = true} : (vector<16xf32>, vector<16xf32>, vector<16xi1>) -> (vector<16xi1>, vector<16xf32>, vector<16xf32>)
          %min3A_305 = arith.minimumf %masked_sort3A_299, %masked_sort3A_303 : vector<16xf32>
          %masked_sort3A_306 = arith.constant dense<true> : vector<16xi1>
          %masked_sort3A_307, %masked_sort3A_308, %masked_sort3A_309 = tpu.sort %min3A_305, %min3A_305 masked %masked_sort3A_306 {descending = true} : (vector<16xf32>, vector<16xf32>, vector<16xi1>) -> (vector<16xi1>, vector<16xf32>, vector<16xf32>)
          %max3A_310 = arith.maximumf %masked_sort3A_299, %masked_sort3A_303 : vector<16xf32>
          %masked_sort3A_311 = arith.constant dense<true> : vector<16xi1>
          %masked_sort3A_312, %masked_sort3A_313, %masked_sort3A_314 = tpu.sort %max3A_310, %max3A_310 masked %masked_sort3A_311 {descending = true} : (vector<16xf32>, vector<16xf32>, vector<16xi1>) -> (vector<16xi1>, vector<16xf32>, vector<16xf32>)
          %min3A_315 = arith.minimumf %masked_sort3A_279, %masked_sort3A_313 : vector<16xf32>
          %min3A_316 = arith.minimumf %masked_sort3A_283, %masked_sort3A_308 : vector<16xf32>
          %min3A_317 = arith.minimumf %min3A_315, %min3A_316 : vector<16xf32>
          %max3A_318 = arith.maximumf %min3A_315, %min3A_316 : vector<16xf32>
          %masked_sort3A_319 = arith.constant dense<true> : vector<16xi1>
          %masked_sort3A_320, %masked_sort3A_321, %masked_sort3A_322 = tpu.sort %min3A_317, %min3A_317 masked %masked_sort3A_319 : (vector<16xf32>, vector<16xf32>, vector<16xi1>) -> (vector<16xi1>, vector<16xf32>, vector<16xf32>)
          %masked_sort3A_323 = arith.constant dense<true> : vector<16xi1>
          %masked_sort3A_324, %masked_sort3A_325, %masked_sort3A_326 = tpu.sort %max3A_318, %max3A_318 masked %masked_sort3A_323 : (vector<16xf32>, vector<16xf32>, vector<16xi1>) -> (vector<16xi1>, vector<16xf32>, vector<16xf32>)
          %get3A_327 = arith.index_cast %rem3A_50 : i32 to index
          %get3A_328 = arith.index_cast %add3A_88 : i32 to index
          %get3A_329 = arith.index_cast %mul3A_165 : i32 to index
          %get3A_330 = tpu.vector_load %arg6[%get3A_327, %get3A_328, %get3A_329] {strides = array<i32>} : memref<3x16x1024xf32, #tpu.memory_space<vmem>>, vector<16xf32>,
          %add3A_331 = arith.constant 16 : i32
          %add3A_332 = arith.addi %mul3A_165, %add3A_331 : i32
          %get3A_333 = arith.index_cast %rem3A_50 : i32 to index
          %get3A_334 = arith.index_cast %add3A_88 : i32 to index
          %get3A_335 = arith.index_cast %add3A_332 : i32 to index
          %get3A_336 = tpu.vector_load %arg6[%get3A_333, %get3A_334, %get3A_335] {strides = array<i32>} : memref<3x16x1024xf32, #tpu.memory_space<vmem>>, vector<16xf32>,
          %masked_sort3A_337 = arith.constant dense<true> : vector<16xi1>
          %masked_sort3A_338, %masked_sort3A_339, %masked_sort3A_340 = tpu.sort %get3A_330, %get3A_330 masked %masked_sort3A_337 : (vector<16xf32>, vector<16xf32>, vector<16xi1>) -> (vector<16xi1>, vector<16xf32>, vector<16xf32>)
          %masked_sort3A_341 = arith.constant dense<true> : vector<16xi1>
          %masked_sort3A_342, %masked_sort3A_343, %masked_sort3A_344 = tpu.sort %get3A_336, %get3A_336 masked %masked_sort3A_341 {descending = true} : (vector<16xf32>, vector<16xf32>, vector<16xi1>) -> (vector<16xi1>, vector<16xf32>, vector<16xf32>)
          %min3A_345 = arith.minimumf %masked_sort3A_339, %masked_sort3A_343 : vector<16xf32>
          %masked_sort3A_346 = arith.constant dense<true> : vector<16xi1>
          %masked_sort3A_347, %masked_sort3A_348, %masked_sort3A_349 = tpu.sort %min3A_345, %min3A_345 masked %masked_sort3A_346 {descending = true} : (vector<16xf32>, vector<16xf32>, vector<16xi1>) -> (vector<16xi1>, vector<16xf32>, vector<16xf32>)
          %max3A_350 = arith.maximumf %masked_sort3A_339, %masked_sort3A_343 : vector<16xf32>
          %masked_sort3A_351 = arith.constant dense<true> : vector<16xi1>
          %masked_sort3A_352, %masked_sort3A_353, %masked_sort3A_354 = tpu.sort %max3A_350, %max3A_350 masked %masked_sort3A_351 {descending = true} : (vector<16xf32>, vector<16xf32>, vector<16xi1>) -> (vector<16xi1>, vector<16xf32>, vector<16xf32>)
          %min3A_355 = arith.minimumf %scan3A_152, %masked_sort3A_353 : vector<16xf32>
          %min3A_356 = arith.minimumf %scan3A_153, %masked_sort3A_348 : vector<16xf32>
          %min3A_357 = arith.minimumf %min3A_355, %min3A_356 : vector<16xf32>
          %max3A_358 = arith.maximumf %min3A_355, %min3A_356 : vector<16xf32>
          %masked_sort3A_359 = arith.constant dense<true> : vector<16xi1>
          %masked_sort3A_360, %masked_sort3A_361, %masked_sort3A_362 = tpu.sort %min3A_357, %min3A_357 masked %masked_sort3A_359 : (vector<16xf32>, vector<16xf32>, vector<16xi1>) -> (vector<16xi1>, vector<16xf32>, vector<16xf32>)
          %masked_sort3A_363 = arith.constant dense<true> : vector<16xi1>
          %masked_sort3A_364, %masked_sort3A_365, %masked_sort3A_366 = tpu.sort %max3A_358, %max3A_358 masked %masked_sort3A_363 : (vector<16xf32>, vector<16xf32>, vector<16xi1>) -> (vector<16xi1>, vector<16xf32>, vector<16xf32>)
          %add3A_367 = arith.constant 32 : i32
          %add3A_368 = arith.addi %mul3A_165, %add3A_367 : i32
          %get3A_369 = arith.index_cast %rem3A_50 : i32 to index
          %get3A_370 = arith.index_cast %add3A_88 : i32 to index
          %get3A_371 = arith.index_cast %add3A_368 : i32 to index
          %get3A_372 = tpu.vector_load %arg6[%get3A_369, %get3A_370, %get3A_371] {strides = array<i32>} : memref<3x16x1024xf32, #tpu.memory_space<vmem>>, vector<16xf32>,
          %add3A_373 = arith.constant 48 : i32
          %add3A_374 = arith.addi %mul3A_165, %add3A_373 : i32
          %get3A_375 = arith.index_cast %rem3A_50 : i32 to index
          %get3A_376 = arith.index_cast %add3A_88 : i32 to index
          %get3A_377 = arith.index_cast %add3A_374 : i32 to index
          %get3A_378 = tpu.vector_load %arg6[%get3A_375, %get3A_376, %get3A_377] {strides = array<i32>} : memref<3x16x1024xf32, #tpu.memory_space<vmem>>, vector<16xf32>,
          %masked_sort3A_379 = arith.constant dense<true> : vector<16xi1>
          %masked_sort3A_380, %masked_sort3A_381, %masked_sort3A_382 = tpu.sort %get3A_372, %get3A_372 masked %masked_sort3A_379 : (vector<16xf32>, vector<16xf32>, vector<16xi1>) -> (vector<16xi1>, vector<16xf32>, vector<16xf32>)
          %masked_sort3A_383 = arith.constant dense<true> : vector<16xi1>
          %masked_sort3A_384, %masked_sort3A_385, %masked_sort3A_386 = tpu.sort %get3A_378, %get3A_378 masked %masked_sort3A_383 {descending = true} : (vector<16xf32>, vector<16xf32>, vector<16xi1>) -> (vector<16xi1>, vector<16xf32>, vector<16xf32>)
          %min3A_387 = arith.minimumf %masked_sort3A_381, %masked_sort3A_385 : vector<16xf32>
          %masked_sort3A_388 = arith.constant dense<true> : vector<16xi1>
          %masked_sort3A_389, %masked_sort3A_390, %masked_sort3A_391 = tpu.sort %min3A_387, %min3A_387 masked %masked_sort3A_388 {descending = true} : (vector<16xf32>, vector<16xf32>, vector<16xi1>) -> (vector<16xi1>, vector<16xf32>, vector<16xf32>)
          %max3A_392 = arith.maximumf %masked_sort3A_381, %masked_sort3A_385 : vector<16xf32>
          %masked_sort3A_393 = arith.constant dense<true> : vector<16xi1>
          %masked_sort3A_394, %masked_sort3A_395, %masked_sort3A_396 = tpu.sort %max3A_392, %max3A_392 masked %masked_sort3A_393 {descending = true} : (vector<16xf32>, vector<16xf32>, vector<16xi1>) -> (vector<16xi1>, vector<16xf32>, vector<16xf32>)
          %min3A_397 = arith.minimumf %masked_sort3A_361, %masked_sort3A_395 : vector<16xf32>
          %min3A_398 = arith.minimumf %masked_sort3A_365, %masked_sort3A_390 : vector<16xf32>
          %min3A_399 = arith.minimumf %min3A_397, %min3A_398 : vector<16xf32>
          %max3A_400 = arith.maximumf %min3A_397, %min3A_398 : vector<16xf32>
          %masked_sort3A_401 = arith.constant dense<true> : vector<16xi1>
          %masked_sort3A_402, %masked_sort3A_403, %masked_sort3A_404 = tpu.sort %min3A_399, %min3A_399 masked %masked_sort3A_401 : (vector<16xf32>, vector<16xf32>, vector<16xi1>) -> (vector<16xi1>, vector<16xf32>, vector<16xf32>)
          %masked_sort3A_405 = arith.constant dense<true> : vector<16xi1>
          %masked_sort3A_406, %masked_sort3A_407, %masked_sort3A_408 = tpu.sort %max3A_400, %max3A_400 masked %masked_sort3A_405 : (vector<16xf32>, vector<16xf32>, vector<16xi1>) -> (vector<16xi1>, vector<16xf32>, vector<16xf32>)
          %get3A_409 = arith.index_cast %rem3A_50 : i32 to index
          %get3A_410 = arith.index_cast %add3A_92 : i32 to index
          %get3A_411 = arith.index_cast %mul3A_165 : i32 to index
          %get3A_412 = tpu.vector_load %arg6[%get3A_409, %get3A_410, %get3A_411] {strides = array<i32>} : memref<3x16x1024xf32, #tpu.memory_space<vmem>>, vector<16xf32>,
          %add3A_413 = arith.constant 16 : i32
          %add3A_414 = arith.addi %mul3A_165, %add3A_413 : i32
          %get3A_415 = arith.index_cast %rem3A_50 : i32 to index
          %get3A_416 = arith.index_cast %add3A_92 : i32 to index
          %get3A_417 = arith.index_cast %add3A_414 : i32 to index
          %get3A_418 = tpu.vector_load %arg6[%get3A_415, %get3A_416, %get3A_417] {strides = array<i32>} : memref<3x16x1024xf32, #tpu.memory_space<vmem>>, vector<16xf32>,
          %masked_sort3A_419 = arith.constant dense<true> : vector<16xi1>
          %masked_sort3A_420, %masked_sort3A_421, %masked_sort3A_422 = tpu.sort %get3A_412, %get3A_412 masked %masked_sort3A_419 : (vector<16xf32>, vector<16xf32>, vector<16xi1>) -> (vector<16xi1>, vector<16xf32>, vector<16xf32>)
          %masked_sort3A_423 = arith.constant dense<true> : vector<16xi1>
          %masked_sort3A_424, %masked_sort3A_425, %masked_sort3A_426 = tpu.sort %get3A_418, %get3A_418 masked %masked_sort3A_423 {descending = true} : (vector<16xf32>, vector<16xf32>, vector<16xi1>) -> (vector<16xi1>, vector<16xf32>, vector<16xf32>)
          %min3A_427 = arith.minimumf %masked_sort3A_421, %masked_sort3A_425 : vector<16xf32>
          %masked_sort3A_428 = arith.constant dense<true> : vector<16xi1>
          %masked_sort3A_429, %masked_sort3A_430, %masked_sort3A_431 = tpu.sort %min3A_427, %min3A_427 masked %masked_sort3A_428 {descending = true} : (vector<16xf32>, vector<16xf32>, vector<16xi1>) -> (vector<16xi1>, vector<16xf32>, vector<16xf32>)
          %max3A_432 = arith.maximumf %masked_sort3A_421, %masked_sort3A_425 : vector<16xf32>
          %masked_sort3A_433 = arith.constant dense<true> : vector<16xi1>
          %masked_sort3A_434, %masked_sort3A_435, %masked_sort3A_436 = tpu.sort %max3A_432, %max3A_432 masked %masked_sort3A_433 {descending = true} : (vector<16xf32>, vector<16xf32>, vector<16xi1>) -> (vector<16xi1>, vector<16xf32>, vector<16xf32>)
          %min3A_437 = arith.minimumf %scan3A_154, %masked_sort3A_435 : vector<16xf32>
          %min3A_438 = arith.minimumf %scan3A_155, %masked_sort3A_430 : vector<16xf32>
          %min3A_439 = arith.minimumf %min3A_437, %min3A_438 : vector<16xf32>
          %max3A_440 = arith.maximumf %min3A_437, %min3A_438 : vector<16xf32>
          %masked_sort3A_441 = arith.constant dense<true> : vector<16xi1>
          %masked_sort3A_442, %masked_sort3A_443, %masked_sort3A_444 = tpu.sort %min3A_439, %min3A_439 masked %masked_sort3A_441 : (vector<16xf32>, vector<16xf32>, vector<16xi1>) -> (vector<16xi1>, vector<16xf32>, vector<16xf32>)
          %masked_sort3A_445 = arith.constant dense<true> : vector<16xi1>
          %masked_sort3A_446, %masked_sort3A_447, %masked_sort3A_448 = tpu.sort %max3A_440, %max3A_440 masked %masked_sort3A_445 : (vector<16xf32>, vector<16xf32>, vector<16xi1>) -> (vector<16xi1>, vector<16xf32>, vector<16xf32>)
          %add3A_449 = arith.constant 32 : i32
          %add3A_450 = arith.addi %mul3A_165, %add3A_449 : i32
          %get3A_451 = arith.index_cast %rem3A_50 : i32 to index
          %get3A_452 = arith.index_cast %add3A_92 : i32 to index
          %get3A_453 = arith.index_cast %add3A_450 : i32 to index
          %get3A_454 = tpu.vector_load %arg6[%get3A_451, %get3A_452, %get3A_453] {strides = array<i32>} : memref<3x16x1024xf32, #tpu.memory_space<vmem>>, vector<16xf32>,
          %add3A_455 = arith.constant 48 : i32
          %add3A_456 = arith.addi %mul3A_165, %add3A_455 : i32
          %get3A_457 = arith.index_cast %rem3A_50 : i32 to index
          %get3A_458 = arith.index_cast %add3A_92 : i32 to index
          %get3A_459 = arith.index_cast %add3A_456 : i32 to index
          %get3A_460 = tpu.vector_load %arg6[%get3A_457, %get3A_458, %get3A_459] {strides = array<i32>} : memref<3x16x1024xf32, #tpu.memory_space<vmem>>, vector<16xf32>,
          %masked_sort3A_461 = arith.constant dense<true> : vector<16xi1>
          %masked_sort3A_462, %masked_sort3A_463, %masked_sort3A_464 = tpu.sort %get3A_454, %get3A_454 masked %masked_sort3A_461 : (vector<16xf32>, vector<16xf32>, vector<16xi1>) -> (vector<16xi1>, vector<16xf32>, vector<16xf32>)
          %masked_sort3A_465 = arith.constant dense<true> : vector<16xi1>
          %masked_sort3A_466, %masked_sort3A_467, %masked_sort3A_468 = tpu.sort %get3A_460, %get3A_460 masked %masked_sort3A_465 {descending = true} : (vector<16xf32>, vector<16xf32>, vector<16xi1>) -> (vector<16xi1>, vector<16xf32>, vector<16xf32>)
          %min3A_469 = arith.minimumf %masked_sort3A_463, %masked_sort3A_467 : vector<16xf32>
          %masked_sort3A_470 = arith.constant dense<true> : vector<16xi1>
          %masked_sort3A_471, %masked_sort3A_472, %masked_sort3A_473 = tpu.sort %min3A_469, %min3A_469 masked %masked_sort3A_470 {descending = true} : (vector<16xf32>, vector<16xf32>, vector<16xi1>) -> (vector<16xi1>, vector<16xf32>, vector<16xf32>)
          %max3A_474 = arith.maximumf %masked_sort3A_463, %masked_sort3A_467 : vector<16xf32>
          %masked_sort3A_475 = arith.constant dense<true> : vector<16xi1>
          %masked_sort3A_476, %masked_sort3A_477, %masked_sort3A_478 = tpu.sort %max3A_474, %max3A_474 masked %masked_sort3A_475 {descending = true} : (vector<16xf32>, vector<16xf32>, vector<16xi1>) -> (vector<16xi1>, vector<16xf32>, vector<16xf32>)
          %min3A_479 = arith.minimumf %masked_sort3A_443, %masked_sort3A_477 : vector<16xf32>
          %min3A_480 = arith.minimumf %masked_sort3A_447, %masked_sort3A_472 : vector<16xf32>
          %min3A_481 = arith.minimumf %min3A_479, %min3A_480 : vector<16xf32>
          %max3A_482 = arith.maximumf %min3A_479, %min3A_480 : vector<16xf32>
          %masked_sort3A_483 = arith.constant dense<true> : vector<16xi1>
          %masked_sort3A_484, %masked_sort3A_485, %masked_sort3A_486 = tpu.sort %min3A_481, %min3A_481 masked %masked_sort3A_483 : (vector<16xf32>, vector<16xf32>, vector<16xi1>) -> (vector<16xi1>, vector<16xf32>, vector<16xf32>)
          %masked_sort3A_487 = arith.constant dense<true> : vector<16xi1>
          %masked_sort3A_488, %masked_sort3A_489, %masked_sort3A_490 = tpu.sort %max3A_482, %max3A_482 masked %masked_sort3A_487 : (vector<16xf32>, vector<16xf32>, vector<16xi1>) -> (vector<16xi1>, vector<16xf32>, vector<16xf32>)
          %get3A_491 = arith.index_cast %rem3A_50 : i32 to index
          %get3A_492 = arith.index_cast %add3A_96 : i32 to index
          %get3A_493 = arith.index_cast %mul3A_165 : i32 to index
          %get3A_494 = tpu.vector_load %arg6[%get3A_491, %get3A_492, %get3A_493] {strides = array<i32>} : memref<3x16x1024xf32, #tpu.memory_space<vmem>>, vector<16xf32>,
          %add3A_495 = arith.constant 16 : i32
          %add3A_496 = arith.addi %mul3A_165, %add3A_495 : i32
          %get3A_497 = arith.index_cast %rem3A_50 : i32 to index
          %get3A_498 = arith.index_cast %add3A_96 : i32 to index
          %get3A_499 = arith.index_cast %add3A_496 : i32 to index
          %get3A_500 = tpu.vector_load %arg6[%get3A_497, %get3A_498, %get3A_499] {strides = array<i32>} : memref<3x16x1024xf32, #tpu.memory_space<vmem>>, vector<16xf32>,
          %masked_sort3A_501 = arith.constant dense<true> : vector<16xi1>
          %masked_sort3A_502, %masked_sort3A_503, %masked_sort3A_504 = tpu.sort %get3A_494, %get3A_494 masked %masked_sort3A_501 : (vector<16xf32>, vector<16xf32>, vector<16xi1>) -> (vector<16xi1>, vector<16xf32>, vector<16xf32>)
          %masked_sort3A_505 = arith.constant dense<true> : vector<16xi1>
          %masked_sort3A_506, %masked_sort3A_507, %masked_sort3A_508 = tpu.sort %get3A_500, %get3A_500 masked %masked_sort3A_505 {descending = true} : (vector<16xf32>, vector<16xf32>, vector<16xi1>) -> (vector<16xi1>, vector<16xf32>, vector<16xf32>)
          %min3A_509 = arith.minimumf %masked_sort3A_503, %masked_sort3A_507 : vector<16xf32>
          %masked_sort3A_510 = arith.constant dense<true> : vector<16xi1>
          %masked_sort3A_511, %masked_sort3A_512, %masked_sort3A_513 = tpu.sort %min3A_509, %min3A_509 masked %masked_sort3A_510 {descending = true} : (vector<16xf32>, vector<16xf32>, vector<16xi1>) -> (vector<16xi1>, vector<16xf32>, vector<16xf32>)
          %max3A_514 = arith.maximumf %masked_sort3A_503, %masked_sort3A_507 : vector<16xf32>
          %masked_sort3A_515 = arith.constant dense<true> : vector<16xi1>
          %masked_sort3A_516, %masked_sort3A_517, %masked_sort3A_518 = tpu.sort %max3A_514, %max3A_514 masked %masked_sort3A_515 {descending = true} : (vector<16xf32>, vector<16xf32>, vector<16xi1>) -> (vector<16xi1>, vector<16xf32>, vector<16xf32>)
          %min3A_519 = arith.minimumf %scan3A_156, %masked_sort3A_517 : vector<16xf32>
          %min3A_520 = arith.minimumf %scan3A_157, %masked_sort3A_512 : vector<16xf32>
          %min3A_521 = arith.minimumf %min3A_519, %min3A_520 : vector<16xf32>
          %max3A_522 = arith.maximumf %min3A_519, %min3A_520 : vector<16xf32>
          %masked_sort3A_523 = arith.constant dense<true> : vector<16xi1>
          %masked_sort3A_524, %masked_sort3A_525, %masked_sort3A_526 = tpu.sort %min3A_521, %min3A_521 masked %masked_sort3A_523 : (vector<16xf32>, vector<16xf32>, vector<16xi1>) -> (vector<16xi1>, vector<16xf32>, vector<16xf32>)
          %masked_sort3A_527 = arith.constant dense<true> : vector<16xi1>
          %masked_sort3A_528, %masked_sort3A_529, %masked_sort3A_530 = tpu.sort %max3A_522, %max3A_522 masked %masked_sort3A_527 : (vector<16xf32>, vector<16xf32>, vector<16xi1>) -> (vector<16xi1>, vector<16xf32>, vector<16xf32>)
          %add3A_531 = arith.constant 32 : i32
          %add3A_532 = arith.addi %mul3A_165, %add3A_531 : i32
          %get3A_533 = arith.index_cast %rem3A_50 : i32 to index
          %get3A_534 = arith.index_cast %add3A_96 : i32 to index
          %get3A_535 = arith.index_cast %add3A_532 : i32 to index
          %get3A_536 = tpu.vector_load %arg6[%get3A_533, %get3A_534, %get3A_535] {strides = array<i32>} : memref<3x16x1024xf32, #tpu.memory_space<vmem>>, vector<16xf32>,
          %add3A_537 = arith.constant 48 : i32
          %add3A_538 = arith.addi %mul3A_165, %add3A_537 : i32
          %get3A_539 = arith.index_cast %rem3A_50 : i32 to index
          %get3A_540 = arith.index_cast %add3A_96 : i32 to index
          %get3A_541 = arith.index_cast %add3A_538 : i32 to index
          %get3A_542 = tpu.vector_load %arg6[%get3A_539, %get3A_540, %get3A_541] {strides = array<i32>} : memref<3x16x1024xf32, #tpu.memory_space<vmem>>, vector<16xf32>,
          %masked_sort3A_543 = arith.constant dense<true> : vector<16xi1>
          %masked_sort3A_544, %masked_sort3A_545, %masked_sort3A_546 = tpu.sort %get3A_536, %get3A_536 masked %masked_sort3A_543 : (vector<16xf32>, vector<16xf32>, vector<16xi1>) -> (vector<16xi1>, vector<16xf32>, vector<16xf32>)
          %masked_sort3A_547 = arith.constant dense<true> : vector<16xi1>
          %masked_sort3A_548, %masked_sort3A_549, %masked_sort3A_550 = tpu.sort %get3A_542, %get3A_542 masked %masked_sort3A_547 {descending = true} : (vector<16xf32>, vector<16xf32>, vector<16xi1>) -> (vector<16xi1>, vector<16xf32>, vector<16xf32>)
          %min3A_551 = arith.minimumf %masked_sort3A_545, %masked_sort3A_549 : vector<16xf32>
          %masked_sort3A_552 = arith.constant dense<true> : vector<16xi1>
          %masked_sort3A_553, %masked_sort3A_554, %masked_sort3A_555 = tpu.sort %min3A_551, %min3A_551 masked %masked_sort3A_552 {descending = true} : (vector<16xf32>, vector<16xf32>, vector<16xi1>) -> (vector<16xi1>, vector<16xf32>, vector<16xf32>)
          %max3A_556 = arith.maximumf %masked_sort3A_545, %masked_sort3A_549 : vector<16xf32>
          %masked_sort3A_557 = arith.constant dense<true> : vector<16xi1>
          %masked_sort3A_558, %masked_sort3A_559, %masked_sort3A_560 = tpu.sort %max3A_556, %max3A_556 masked %masked_sort3A_557 {descending = true} : (vector<16xf32>, vector<16xf32>, vector<16xi1>) -> (vector<16xi1>, vector<16xf32>, vector<16xf32>)
          %min3A_561 = arith.minimumf %masked_sort3A_525, %masked_sort3A_559 : vector<16xf32>
          %min3A_562 = arith.minimumf %masked_sort3A_529, %masked_sort3A_554 : vector<16xf32>
          %min3A_563 = arith.minimumf %min3A_561, %min3A_562 : vector<16xf32>
          %max3A_564 = arith.maximumf %min3A_561, %min3A_562 : vector<16xf32>
          %masked_sort3A_565 = arith.constant dense<true> : vector<16xi1>
          %masked_sort3A_566, %masked_sort3A_567, %masked_sort3A_568 = tpu.sort %min3A_563, %min3A_563 masked %masked_sort3A_565 : (vector<16xf32>, vector<16xf32>, vector<16xi1>) -> (vector<16xi1>, vector<16xf32>, vector<16xf32>)
          %masked_sort3A_569 = arith.constant dense<true> : vector<16xi1>
          %masked_sort3A_570, %masked_sort3A_571, %masked_sort3A_572 = tpu.sort %max3A_564, %max3A_564 masked %masked_sort3A_569 : (vector<16xf32>, vector<16xf32>, vector<16xi1>) -> (vector<16xi1>, vector<16xf32>, vector<16xf32>)
          %get3A_573 = arith.index_cast %rem3A_50 : i32 to index
          %get3A_574 = arith.index_cast %add3A_100 : i32 to index
          %get3A_575 = arith.index_cast %mul3A_165 : i32 to index
          %get3A_576 = tpu.vector_load %arg6[%get3A_573, %get3A_574, %get3A_575] {strides = array<i32>} : memref<3x16x1024xf32, #tpu.memory_space<vmem>>, vector<16xf32>,
          %add3A_577 = arith.constant 16 : i32
          %add3A_578 = arith.addi %mul3A_165, %add3A_577 : i32
          %get3A_579 = arith.index_cast %rem3A_50 : i32 to index
          %get3A_580 = arith.index_cast %add3A_100 : i32 to index
          %get3A_581 = arith.index_cast %add3A_578 : i32 to index
          %get3A_582 = tpu.vector_load %arg6[%get3A_579, %get3A_580, %get3A_581] {strides = array<i32>} : memref<3x16x1024xf32, #tpu.memory_space<vmem>>, vector<16xf32>,
          %masked_sort3A_583 = arith.constant dense<true> : vector<16xi1>
          %masked_sort3A_584, %masked_sort3A_585, %masked_sort3A_586 = tpu.sort %get3A_576, %get3A_576 masked %masked_sort3A_583 : (vector<16xf32>, vector<16xf32>, vector<16xi1>) -> (vector<16xi1>, vector<16xf32>, vector<16xf32>)
          %masked_sort3A_587 = arith.constant dense<true> : vector<16xi1>
          %masked_sort3A_588, %masked_sort3A_589, %masked_sort3A_590 = tpu.sort %get3A_582, %get3A_582 masked %masked_sort3A_587 {descending = true} : (vector<16xf32>, vector<16xf32>, vector<16xi1>) -> (vector<16xi1>, vector<16xf32>, vector<16xf32>)
          %min3A_591 = arith.minimumf %masked_sort3A_585, %masked_sort3A_589 : vector<16xf32>
          %masked_sort3A_592 = arith.constant dense<true> : vector<16xi1>
          %masked_sort3A_593, %masked_sort3A_594, %masked_sort3A_595 = tpu.sort %min3A_591, %min3A_591 masked %masked_sort3A_592 {descending = true} : (vector<16xf32>, vector<16xf32>, vector<16xi1>) -> (vector<16xi1>, vector<16xf32>, vector<16xf32>)
          %max3A_596 = arith.maximumf %masked_sort3A_585, %masked_sort3A_589 : vector<16xf32>
          %masked_sort3A_597 = arith.constant dense<true> : vector<16xi1>
          %masked_sort3A_598, %masked_sort3A_599, %masked_sort3A_600 = tpu.sort %max3A_596, %max3A_596 masked %masked_sort3A_597 {descending = true} : (vector<16xf32>, vector<16xf32>, vector<16xi1>) -> (vector<16xi1>, vector<16xf32>, vector<16xf32>)
          %min3A_601 = arith.minimumf %scan3A_158, %masked_sort3A_599 : vector<16xf32>
          %min3A_602 = arith.minimumf %scan3A_159, %masked_sort3A_594 : vector<16xf32>
          %min3A_603 = arith.minimumf %min3A_601, %min3A_602 : vector<16xf32>
          %max3A_604 = arith.maximumf %min3A_601, %min3A_602 : vector<16xf32>
          %masked_sort3A_605 = arith.constant dense<true> : vector<16xi1>
          %masked_sort3A_606, %masked_sort3A_607, %masked_sort3A_608 = tpu.sort %min3A_603, %min3A_603 masked %masked_sort3A_605 : (vector<16xf32>, vector<16xf32>, vector<16xi1>) -> (vector<16xi1>, vector<16xf32>, vector<16xf32>)
          %masked_sort3A_609 = arith.constant dense<true> : vector<16xi1>
          %masked_sort3A_610, %masked_sort3A_611, %masked_sort3A_612 = tpu.sort %max3A_604, %max3A_604 masked %masked_sort3A_609 : (vector<16xf32>, vector<16xf32>, vector<16xi1>) -> (vector<16xi1>, vector<16xf32>, vector<16xf32>)
          %add3A_613 = arith.constant 32 : i32
          %add3A_614 = arith.addi %mul3A_165, %add3A_613 : i32
          %get3A_615 = arith.index_cast %rem3A_50 : i32 to index
          %get3A_616 = arith.index_cast %add3A_100 : i32 to index
          %get3A_617 = arith.index_cast %add3A_614 : i32 to index
          %get3A_618 = tpu.vector_load %arg6[%get3A_615, %get3A_616, %get3A_617] {strides = array<i32>} : memref<3x16x1024xf32, #tpu.memory_space<vmem>>, vector<16xf32>,
          %add3A_619 = arith.constant 48 : i32
          %add3A_620 = arith.addi %mul3A_165, %add3A_619 : i32
          %get3A_621 = arith.index_cast %rem3A_50 : i32 to index
          %get3A_622 = arith.index_cast %add3A_100 : i32 to index
          %get3A_623 = arith.index_cast %add3A_620 : i32 to index
          %get3A_624 = tpu.vector_load %arg6[%get3A_621, %get3A_622, %get3A_623] {strides = array<i32>} : memref<3x16x1024xf32, #tpu.memory_space<vmem>>, vector<16xf32>,
          %masked_sort3A_625 = arith.constant dense<true> : vector<16xi1>
          %masked_sort3A_626, %masked_sort3A_627, %masked_sort3A_628 = tpu.sort %get3A_618, %get3A_618 masked %masked_sort3A_625 : (vector<16xf32>, vector<16xf32>, vector<16xi1>) -> (vector<16xi1>, vector<16xf32>, vector<16xf32>)
          %masked_sort3A_629 = arith.constant dense<true> : vector<16xi1>
          %masked_sort3A_630, %masked_sort3A_631, %masked_sort3A_632 = tpu.sort %get3A_624, %get3A_624 masked %masked_sort3A_629 {descending = true} : (vector<16xf32>, vector<16xf32>, vector<16xi1>) -> (vector<16xi1>, vector<16xf32>, vector<16xf32>)
          %min3A_633 = arith.minimumf %masked_sort3A_627, %masked_sort3A_631 : vector<16xf32>
          %masked_sort3A_634 = arith.constant dense<true> : vector<16xi1>
          %masked_sort3A_635, %masked_sort3A_636, %masked_sort3A_637 = tpu.sort %min3A_633, %min3A_633 masked %masked_sort3A_634 {descending = true} : (vector<16xf32>, vector<16xf32>, vector<16xi1>) -> (vector<16xi1>, vector<16xf32>, vector<16xf32>)
          %max3A_638 = arith.maximumf %masked_sort3A_627, %masked_sort3A_631 : vector<16xf32>
          %masked_sort3A_639 = arith.constant dense<true> : vector<16xi1>
          %masked_sort3A_640, %masked_sort3A_641, %masked_sort3A_642 = tpu.sort %max3A_638, %max3A_638 masked %masked_sort3A_639 {descending = true} : (vector<16xf32>, vector<16xf32>, vector<16xi1>) -> (vector<16xi1>, vector<16xf32>, vector<16xf32>)
          %min3A_643 = arith.minimumf %masked_sort3A_607, %masked_sort3A_641 : vector<16xf32>
          %min3A_644 = arith.minimumf %masked_sort3A_611, %masked_sort3A_636 : vector<16xf32>
          %min3A_645 = arith.minimumf %min3A_643, %min3A_644 : vector<16xf32>
          %max3A_646 = arith.maximumf %min3A_643, %min3A_644 : vector<16xf32>
          %masked_sort3A_647 = arith.constant dense<true> : vector<16xi1>
          %masked_sort3A_648, %masked_sort3A_649, %masked_sort3A_650 = tpu.sort %min3A_645, %min3A_645 masked %masked_sort3A_647 : (vector<16xf32>, vector<16xf32>, vector<16xi1>) -> (vector<16xi1>, vector<16xf32>, vector<16xf32>)
          %masked_sort3A_651 = arith.constant dense<true> : vector<16xi1>
          %masked_sort3A_652, %masked_sort3A_653, %masked_sort3A_654 = tpu.sort %max3A_646, %max3A_646 masked %masked_sort3A_651 : (vector<16xf32>, vector<16xf32>, vector<16xi1>) -> (vector<16xi1>, vector<16xf32>, vector<16xf32>)
          %get3A_655 = arith.index_cast %rem3A_50 : i32 to index
          %get3A_656 = arith.index_cast %add3A_104 : i32 to index
          %get3A_657 = arith.index_cast %mul3A_165 : i32 to index
          %get3A_658 = tpu.vector_load %arg6[%get3A_655, %get3A_656, %get3A_657] {strides = array<i32>} : memref<3x16x1024xf32, #tpu.memory_space<vmem>>, vector<16xf32>,
          %add3A_659 = arith.constant 16 : i32
          %add3A_660 = arith.addi %mul3A_165, %add3A_659 : i32
          %get3A_661 = arith.index_cast %rem3A_50 : i32 to index
          %get3A_662 = arith.index_cast %add3A_104 : i32 to index
          %get3A_663 = arith.index_cast %add3A_660 : i32 to index
          %get3A_664 = tpu.vector_load %arg6[%get3A_661, %get3A_662, %get3A_663] {strides = array<i32>} : memref<3x16x1024xf32, #tpu.memory_space<vmem>>, vector<16xf32>,
          %masked_sort3A_665 = arith.constant dense<true> : vector<16xi1>
          %masked_sort3A_666, %masked_sort3A_667, %masked_sort3A_668 = tpu.sort %get3A_658, %get3A_658 masked %masked_sort3A_665 : (vector<16xf32>, vector<16xf32>, vector<16xi1>) -> (vector<16xi1>, vector<16xf32>, vector<16xf32>)
          %masked_sort3A_669 = arith.constant dense<true> : vector<16xi1>
          %masked_sort3A_670, %masked_sort3A_671, %masked_sort3A_672 = tpu.sort %get3A_664, %get3A_664 masked %masked_sort3A_669 {descending = true} : (vector<16xf32>, vector<16xf32>, vector<16xi1>) -> (vector<16xi1>, vector<16xf32>, vector<16xf32>)
          %min3A_673 = arith.minimumf %masked_sort3A_667, %masked_sort3A_671 : vector<16xf32>
          %masked_sort3A_674 = arith.constant dense<true> : vector<16xi1>
          %masked_sort3A_675, %masked_sort3A_676, %masked_sort3A_677 = tpu.sort %min3A_673, %min3A_673 masked %masked_sort3A_674 {descending = true} : (vector<16xf32>, vector<16xf32>, vector<16xi1>) -> (vector<16xi1>, vector<16xf32>, vector<16xf32>)
          %max3A_678 = arith.maximumf %masked_sort3A_667, %masked_sort3A_671 : vector<16xf32>
          %masked_sort3A_679 = arith.constant dense<true> : vector<16xi1>
          %masked_sort3A_680, %masked_sort3A_681, %masked_sort3A_682 = tpu.sort %max3A_678, %max3A_678 masked %masked_sort3A_679 {descending = true} : (vector<16xf32>, vector<16xf32>, vector<16xi1>) -> (vector<16xi1>, vector<16xf32>, vector<16xf32>)
          %min3A_683 = arith.minimumf %scan3A_160, %masked_sort3A_681 : vector<16xf32>
          %min3A_684 = arith.minimumf %scan3A_161, %masked_sort3A_676 : vector<16xf32>
          %min3A_685 = arith.minimumf %min3A_683, %min3A_684 : vector<16xf32>
          %max3A_686 = arith.maximumf %min3A_683, %min3A_684 : vector<16xf32>
          %masked_sort3A_687 = arith.constant dense<true> : vector<16xi1>
          %masked_sort3A_688, %masked_sort3A_689, %masked_sort3A_690 = tpu.sort %min3A_685, %min3A_685 masked %masked_sort3A_687 : (vector<16xf32>, vector<16xf32>, vector<16xi1>) -> (vector<16xi1>, vector<16xf32>, vector<16xf32>)
          %masked_sort3A_691 = arith.constant dense<true> : vector<16xi1>
          %masked_sort3A_692, %masked_sort3A_693, %masked_sort3A_694 = tpu.sort %max3A_686, %max3A_686 masked %masked_sort3A_691 : (vector<16xf32>, vector<16xf32>, vector<16xi1>) -> (vector<16xi1>, vector<16xf32>, vector<16xf32>)
          %add3A_695 = arith.constant 32 : i32
          %add3A_696 = arith.addi %mul3A_165, %add3A_695 : i32
          %get3A_697 = arith.index_cast %rem3A_50 : i32 to index
          %get3A_698 = arith.index_cast %add3A_104 : i32 to index
          %get3A_699 = arith.index_cast %add3A_696 : i32 to index
          %get3A_700 = tpu.vector_load %arg6[%get3A_697, %get3A_698, %get3A_699] {strides = array<i32>} : memref<3x16x1024xf32, #tpu.memory_space<vmem>>, vector<16xf32>,
          %add3A_701 = arith.constant 48 : i32
          %add3A_702 = arith.addi %mul3A_165, %add3A_701 : i32
          %get3A_703 = arith.index_cast %rem3A_50 : i32 to index
          %get3A_704 = arith.index_cast %add3A_104 : i32 to index
          %get3A_705 = arith.index_cast %add3A_702 : i32 to index
          %get3A_706 = tpu.vector_load %arg6[%get3A_703, %get3A_704, %get3A_705] {strides = array<i32>} : memref<3x16x1024xf32, #tpu.memory_space<vmem>>, vector<16xf32>,
          %masked_sort3A_707 = arith.constant dense<true> : vector<16xi1>
          %masked_sort3A_708, %masked_sort3A_709, %masked_sort3A_710 = tpu.sort %get3A_700, %get3A_700 masked %masked_sort3A_707 : (vector<16xf32>, vector<16xf32>, vector<16xi1>) -> (vector<16xi1>, vector<16xf32>, vector<16xf32>)
          %masked_sort3A_711 = arith.constant dense<true> : vector<16xi1>
          %masked_sort3A_712, %masked_sort3A_713, %masked_sort3A_714 = tpu.sort %get3A_706, %get3A_706 masked %masked_sort3A_711 {descending = true} : (vector<16xf32>, vector<16xf32>, vector<16xi1>) -> (vector<16xi1>, vector<16xf32>, vector<16xf32>)
          %min3A_715 = arith.minimumf %masked_sort3A_709, %masked_sort3A_713 : vector<16xf32>
          %masked_sort3A_716 = arith.constant dense<true> : vector<16xi1>
          %masked_sort3A_717, %masked_sort3A_718, %masked_sort3A_719 = tpu.sort %min3A_715, %min3A_715 masked %masked_sort3A_716 {descending = true} : (vector<16xf32>, vector<16xf32>, vector<16xi1>) -> (vector<16xi1>, vector<16xf32>, vector<16xf32>)
          %max3A_720 = arith.maximumf %masked_sort3A_709, %masked_sort3A_713 : vector<16xf32>
          %masked_sort3A_721 = arith.constant dense<true> : vector<16xi1>
          %masked_sort3A_722, %masked_sort3A_723, %masked_sort3A_724 = tpu.sort %max3A_720, %max3A_720 masked %masked_sort3A_721 {descending = true} : (vector<16xf32>, vector<16xf32>, vector<16xi1>) -> (vector<16xi1>, vector<16xf32>, vector<16xf32>)
          %min3A_725 = arith.minimumf %masked_sort3A_689, %masked_sort3A_723 : vector<16xf32>
          %min3A_726 = arith.minimumf %masked_sort3A_693, %masked_sort3A_718 : vector<16xf32>
          %min3A_727 = arith.minimumf %min3A_725, %min3A_726 : vector<16xf32>
          %max3A_728 = arith.maximumf %min3A_725, %min3A_726 : vector<16xf32>
          %masked_sort3A_729 = arith.constant dense<true> : vector<16xi1>
          %masked_sort3A_730, %masked_sort3A_731, %masked_sort3A_732 = tpu.sort %min3A_727, %min3A_727 masked %masked_sort3A_729 : (vector<16xf32>, vector<16xf32>, vector<16xi1>) -> (vector<16xi1>, vector<16xf32>, vector<16xf32>)
          %masked_sort3A_733 = arith.constant dense<true> : vector<16xi1>
          %masked_sort3A_734, %masked_sort3A_735, %masked_sort3A_736 = tpu.sort %max3A_728, %max3A_728 masked %masked_sort3A_733 : (vector<16xf32>, vector<16xf32>, vector<16xi1>) -> (vector<16xi1>, vector<16xf32>, vector<16xf32>)
          %get3A_737 = arith.index_cast %rem3A_50 : i32 to index
          %get3A_738 = arith.index_cast %add3A_108 : i32 to index
          %get3A_739 = arith.index_cast %mul3A_165 : i32 to index
          %get3A_740 = tpu.vector_load %arg6[%get3A_737, %get3A_738, %get3A_739] {strides = array<i32>} : memref<3x16x1024xf32, #tpu.memory_space<vmem>>, vector<16xf32>,
          %add3A_741 = arith.constant 16 : i32
          %add3A_742 = arith.addi %mul3A_165, %add3A_741 : i32
          %get3A_743 = arith.index_cast %rem3A_50 : i32 to index
          %get3A_744 = arith.index_cast %add3A_108 : i32 to index
          %get3A_745 = arith.index_cast %add3A_742 : i32 to index
          %get3A_746 = tpu.vector_load %arg6[%get3A_743, %get3A_744, %get3A_745] {strides = array<i32>} : memref<3x16x1024xf32, #tpu.memory_space<vmem>>, vector<16xf32>,
          %masked_sort3A_747 = arith.constant dense<true> : vector<16xi1>
          %masked_sort3A_748, %masked_sort3A_749, %masked_sort3A_750 = tpu.sort %get3A_740, %get3A_740 masked %masked_sort3A_747 : (vector<16xf32>, vector<16xf32>, vector<16xi1>) -> (vector<16xi1>, vector<16xf32>, vector<16xf32>)
          %masked_sort3A_751 = arith.constant dense<true> : vector<16xi1>
          %masked_sort3A_752, %masked_sort3A_753, %masked_sort3A_754 = tpu.sort %get3A_746, %get3A_746 masked %masked_sort3A_751 {descending = true} : (vector<16xf32>, vector<16xf32>, vector<16xi1>) -> (vector<16xi1>, vector<16xf32>, vector<16xf32>)
          %min3A_755 = arith.minimumf %masked_sort3A_749, %masked_sort3A_753 : vector<16xf32>
          %masked_sort3A_756 = arith.constant dense<true> : vector<16xi1>
          %masked_sort3A_757, %masked_sort3A_758, %masked_sort3A_759 = tpu.sort %min3A_755, %min3A_755 masked %masked_sort3A_756 {descending = true} : (vector<16xf32>, vector<16xf32>, vector<16xi1>) -> (vector<16xi1>, vector<16xf32>, vector<16xf32>)
          %max3A_760 = arith.maximumf %masked_sort3A_749, %masked_sort3A_753 : vector<16xf32>
          %masked_sort3A_761 = arith.constant dense<true> : vector<16xi1>
          %masked_sort3A_762, %masked_sort3A_763, %masked_sort3A_764 = tpu.sort %max3A_760, %max3A_760 masked %masked_sort3A_761 {descending = true} : (vector<16xf32>, vector<16xf32>, vector<16xi1>) -> (vector<16xi1>, vector<16xf32>, vector<16xf32>)
          %min3A_765 = arith.minimumf %scan3A_162, %masked_sort3A_763 : vector<16xf32>
          %min3A_766 = arith.minimumf %scan3A_163, %masked_sort3A_758 : vector<16xf32>
          %min3A_767 = arith.minimumf %min3A_765, %min3A_766 : vector<16xf32>
          %max3A_768 = arith.maximumf %min3A_765, %min3A_766 : vector<16xf32>
          %masked_sort3A_769 = arith.constant dense<true> : vector<16xi1>
          %masked_sort3A_770, %masked_sort3A_771, %masked_sort3A_772 = tpu.sort %min3A_767, %min3A_767 masked %masked_sort3A_769 : (vector<16xf32>, vector<16xf32>, vector<16xi1>) -> (vector<16xi1>, vector<16xf32>, vector<16xf32>)
          %masked_sort3A_773 = arith.constant dense<true> : vector<16xi1>
          %masked_sort3A_774, %masked_sort3A_775, %masked_sort3A_776 = tpu.sort %max3A_768, %max3A_768 masked %masked_sort3A_773 : (vector<16xf32>, vector<16xf32>, vector<16xi1>) -> (vector<16xi1>, vector<16xf32>, vector<16xf32>)
          %add3A_777 = arith.constant 32 : i32
          %add3A_778 = arith.addi %mul3A_165, %add3A_777 : i32
          %get3A_779 = arith.index_cast %rem3A_50 : i32 to index
          %get3A_780 = arith.index_cast %add3A_108 : i32 to index
          %get3A_781 = arith.index_cast %add3A_778 : i32 to index
          %get3A_782 = tpu.vector_load %arg6[%get3A_779, %get3A_780, %get3A_781] {strides = array<i32>} : memref<3x16x1024xf32, #tpu.memory_space<vmem>>, vector<16xf32>,
          %add3A_783 = arith.constant 48 : i32
          %add3A_784 = arith.addi %mul3A_165, %add3A_783 : i32
          %get3A_785 = arith.index_cast %rem3A_50 : i32 to index
          %get3A_786 = arith.index_cast %add3A_108 : i32 to index
          %get3A_787 = arith.index_cast %add3A_784 : i32 to index
          %get3A_788 = tpu.vector_load %arg6[%get3A_785, %get3A_786, %get3A_787] {strides = array<i32>} : memref<3x16x1024xf32, #tpu.memory_space<vmem>>, vector<16xf32>,
          %masked_sort3A_789 = arith.constant dense<true> : vector<16xi1>
          %masked_sort3A_790, %masked_sort3A_791, %masked_sort3A_792 = tpu.sort %get3A_782, %get3A_782 masked %masked_sort3A_789 : (vector<16xf32>, vector<16xf32>, vector<16xi1>) -> (vector<16xi1>, vector<16xf32>, vector<16xf32>)
          %masked_sort3A_793 = arith.constant dense<true> : vector<16xi1>
          %masked_sort3A_794, %masked_sort3A_795, %masked_sort3A_796 = tpu.sort %get3A_788, %get3A_788 masked %masked_sort3A_793 {descending = true} : (vector<16xf32>, vector<16xf32>, vector<16xi1>) -> (vector<16xi1>, vector<16xf32>, vector<16xf32>)
          %min3A_797 = arith.minimumf %masked_sort3A_791, %masked_sort3A_795 : vector<16xf32>
          %masked_sort3A_798 = arith.constant dense<true> : vector<16xi1>
          %masked_sort3A_799, %masked_sort3A_800, %masked_sort3A_801 = tpu.sort %min3A_797, %min3A_797 masked %masked_sort3A_798 {descending = true} : (vector<16xf32>, vector<16xf32>, vector<16xi1>) -> (vector<16xi1>, vector<16xf32>, vector<16xf32>)
          %max3A_802 = arith.maximumf %masked_sort3A_791, %masked_sort3A_795 : vector<16xf32>
          %masked_sort3A_803 = arith.constant dense<true> : vector<16xi1>
          %masked_sort3A_804, %masked_sort3A_805, %masked_sort3A_806 = tpu.sort %max3A_802, %max3A_802 masked %masked_sort3A_803 {descending = true} : (vector<16xf32>, vector<16xf32>, vector<16xi1>) -> (vector<16xi1>, vector<16xf32>, vector<16xf32>)
          %min3A_807 = arith.minimumf %masked_sort3A_771, %masked_sort3A_805 : vector<16xf32>
          %min3A_808 = arith.minimumf %masked_sort3A_775, %masked_sort3A_800 : vector<16xf32>
          %min3A_809 = arith.minimumf %min3A_807, %min3A_808 : vector<16xf32>
          %max3A_810 = arith.maximumf %min3A_807, %min3A_808 : vector<16xf32>
          %masked_sort3A_811 = arith.constant dense<true> : vector<16xi1>
          %masked_sort3A_812, %masked_sort3A_813, %masked_sort3A_814 = tpu.sort %min3A_809, %min3A_809 masked %masked_sort3A_811 : (vector<16xf32>, vector<16xf32>, vector<16xi1>) -> (vector<16xi1>, vector<16xf32>, vector<16xf32>)
          %masked_sort3A_815 = arith.constant dense<true> : vector<16xi1>
          %masked_sort3A_816, %masked_sort3A_817, %masked_sort3A_818 = tpu.sort %max3A_810, %max3A_810 masked %masked_sort3A_815 : (vector<16xf32>, vector<16xf32>, vector<16xi1>) -> (vector<16xi1>, vector<16xf32>, vector<16xf32>)
          scf.yield %masked_sort3A_239, %masked_sort3A_243, %masked_sort3A_321, %masked_sort3A_325, %masked_sort3A_403, %masked_sort3A_407, %masked_sort3A_485, %masked_sort3A_489, %masked_sort3A_567, %masked_sort3A_571, %masked_sort3A_649, %masked_sort3A_653, %masked_sort3A_731, %masked_sort3A_735, %masked_sort3A_813, %masked_sort3A_817 : vector<16xf32>, vector<16xf32>, vector<16xf32>, vector<16xf32>, vector<16xf32>, vector<16xf32>, vector<16xf32>, vector<16xf32>, vector<16xf32>, vector<16xf32>, vector<16xf32>, vector<16xf32>, vector<16xf32>, vector<16xf32>, vector<16xf32>, vector<16xf32>
        }
        %scan3A_114 = arith.constant 16 : i32
        %mul3A_115 = arith.constant 16 : i32
        %mul3A_116 = arith.muli %scan3A_49, %mul3A_115 : i32
        %add3A_117 = arith.addi %mul3A_116, %add3A_80 : i32
        %broadcast_in_dim3A_118 = vector.broadcast %add3A_117 : i32 to vector<16xi32>
        tpu.vector_store_idx %arg7[%iota3A, %broadcast_in_dim3A_118], %scan3A_113#0 : memref<32x128xf32, #tpu.memory_space<vmem>>[vector<16xi32>, vector<16xi32>], vector<16xf32>,
        tpu.vector_store_idx %arg7[%add3A_5, %broadcast_in_dim3A_118], %scan3A_113#1 : memref<32x128xf32, #tpu.memory_space<vmem>>[vector<16xi32>, vector<16xi32>], vector<16xf32>,
        %mul3A_119 = arith.constant 16 : i32
        %mul3A_120 = arith.muli %scan3A_49, %mul3A_119 : i32
        %add3A_121 = arith.addi %mul3A_120, %add3A_84 : i32
        %broadcast_in_dim3A_122 = vector.broadcast %add3A_121 : i32 to vector<16xi32>
        tpu.vector_store_idx %arg7[%iota3A, %broadcast_in_dim3A_122], %scan3A_113#2 : memref<32x128xf32, #tpu.memory_space<vmem>>[vector<16xi32>, vector<16xi32>], vector<16xf32>,
        tpu.vector_store_idx %arg7[%add3A_5, %broadcast_in_dim3A_122], %scan3A_113#3 : memref<32x128xf32, #tpu.memory_space<vmem>>[vector<16xi32>, vector<16xi32>], vector<16xf32>,
        %mul3A_123 = arith.constant 16 : i32
        %mul3A_124 = arith.muli %scan3A_49, %mul3A_123 : i32
        %add3A_125 = arith.addi %mul3A_124, %add3A_88 : i32
        %broadcast_in_dim3A_126 = vector.broadcast %add3A_125 : i32 to vector<16xi32>
        tpu.vector_store_idx %arg7[%iota3A, %broadcast_in_dim3A_126], %scan3A_113#4 : memref<32x128xf32, #tpu.memory_space<vmem>>[vector<16xi32>, vector<16xi32>], vector<16xf32>,
        tpu.vector_store_idx %arg7[%add3A_5, %broadcast_in_dim3A_126], %scan3A_113#5 : memref<32x128xf32, #tpu.memory_space<vmem>>[vector<16xi32>, vector<16xi32>], vector<16xf32>,
        %mul3A_127 = arith.constant 16 : i32
        %mul3A_128 = arith.muli %scan3A_49, %mul3A_127 : i32
        %add3A_129 = arith.addi %mul3A_128, %add3A_92 : i32
        %broadcast_in_dim3A_130 = vector.broadcast %add3A_129 : i32 to vector<16xi32>
        tpu.vector_store_idx %arg7[%iota3A, %broadcast_in_dim3A_130], %scan3A_113#6 : memref<32x128xf32, #tpu.memory_space<vmem>>[vector<16xi32>, vector<16xi32>], vector<16xf32>,
        tpu.vector_store_idx %arg7[%add3A_5, %broadcast_in_dim3A_130], %scan3A_113#7 : memref<32x128xf32, #tpu.memory_space<vmem>>[vector<16xi32>, vector<16xi32>], vector<16xf32>,
        %mul3A_131 = arith.constant 16 : i32
        %mul3A_132 = arith.muli %scan3A_49, %mul3A_131 : i32
        %add3A_133 = arith.addi %mul3A_132, %add3A_96 : i32
        %broadcast_in_dim3A_134 = vector.broadcast %add3A_133 : i32 to vector<16xi32>
        tpu.vector_store_idx %arg7[%iota3A, %broadcast_in_dim3A_134], %scan3A_113#8 : memref<32x128xf32, #tpu.memory_space<vmem>>[vector<16xi32>, vector<16xi32>], vector<16xf32>,
        tpu.vector_store_idx %arg7[%add3A_5, %broadcast_in_dim3A_134], %scan3A_113#9 : memref<32x128xf32, #tpu.memory_space<vmem>>[vector<16xi32>, vector<16xi32>], vector<16xf32>,
        %mul3A_135 = arith.constant 16 : i32
        %mul3A_136 = arith.muli %scan3A_49, %mul3A_135 : i32
        %add3A_137 = arith.addi %mul3A_136, %add3A_100 : i32
        %broadcast_in_dim3A_138 = vector.broadcast %add3A_137 : i32 to vector<16xi32>
        tpu.vector_store_idx %arg7[%iota3A, %broadcast_in_dim3A_138], %scan3A_113#10 : memref<32x128xf32, #tpu.memory_space<vmem>>[vector<16xi32>, vector<16xi32>], vector<16xf32>,
        tpu.vector_store_idx %arg7[%add3A_5, %broadcast_in_dim3A_138], %scan3A_113#11 : memref<32x128xf32, #tpu.memory_space<vmem>>[vector<16xi32>, vector<16xi32>], vector<16xf32>,
        %mul3A_139 = arith.constant 16 : i32
        %mul3A_140 = arith.muli %scan3A_49, %mul3A_139 : i32
        %add3A_141 = arith.addi %mul3A_140, %add3A_104 : i32
        %broadcast_in_dim3A_142 = vector.broadcast %add3A_141 : i32 to vector<16xi32>
        tpu.vector_store_idx %arg7[%iota3A, %broadcast_in_dim3A_142], %scan3A_113#12 : memref<32x128xf32, #tpu.memory_space<vmem>>[vector<16xi32>, vector<16xi32>], vector<16xf32>,
        tpu.vector_store_idx %arg7[%add3A_5, %broadcast_in_dim3A_142], %scan3A_113#13 : memref<32x128xf32, #tpu.memory_space<vmem>>[vector<16xi32>, vector<16xi32>], vector<16xf32>,
        %mul3A_143 = arith.constant 16 : i32
        %mul3A_144 = arith.muli %scan3A_49, %mul3A_143 : i32
        %add3A_145 = arith.addi %mul3A_144, %add3A_108 : i32
        %broadcast_in_dim3A_146 = vector.broadcast %add3A_145 : i32 to vector<16xi32>
        tpu.vector_store_idx %arg7[%iota3A, %broadcast_in_dim3A_146], %scan3A_113#14 : memref<32x128xf32, #tpu.memory_space<vmem>>[vector<16xi32>, vector<16xi32>], vector<16xf32>,
        tpu.vector_store_idx %arg7[%add3A_5, %broadcast_in_dim3A_146], %scan3A_113#15 : memref<32x128xf32, #tpu.memory_space<vmem>>[vector<16xi32>, vector<16xi32>], vector<16xf32>,
      }
      %scan3A_75 = arith.constant 2 : i32
    }
    %scan3A_48 = arith.constant 8 : i32
    "tpu.region"() ({
      %run_scoped3A = tpu.sem_alloc : memref<!tpu.dma_semaphore, #tpu.memory_space<semaphore_mem>>
      %dma_start3A_49 = arith.constant 0 : i32
      %dma_start3A_50 = tpu.memref_slice %arg4[%dma_start3A_49, %mul3A_2] : memref<32x4096xf32, #tpu.memory_space<hbm>> -> memref<32x128xf32, #tpu.memory_space<hbm>>
      %dma_start3A_51 = arith.constant 0 : i32
      %dma_start3A_52 = tpu.memref_slice %arg4[%dma_start3A_51, %mul3A_2] : memref<32x4096xf32, #tpu.memory_space<hbm>> -> memref<32x128xf32, #tpu.memory_space<hbm>>
      tpu.enqueue_dma source(%arg7 : memref<32x128xf32, #tpu.memory_space<vmem>>) target(%dma_start3A_52 : memref<32x128xf32, #tpu.memory_space<hbm>>) target_semaphore(%run_scoped3A : memref<!tpu.dma_semaphore, #tpu.memory_space<semaphore_mem>>)
      %dma_wait3A = arith.constant 0 : i32
      %dma_wait3A_53 = tpu.memref_slice %arg4[%dma_wait3A, %mul3A_2] : memref<32x4096xf32, #tpu.memory_space<hbm>> -> memref<32x128xf32, #tpu.memory_space<hbm>>
      %dma_wait3A_54 = arith.constant 0 : i32
      %dma_wait3A_55 = tpu.memref_slice %arg4[%dma_wait3A_54, %mul3A_2] : memref<32x4096xf32, #tpu.memory_space<hbm>> -> memref<32x128xf32, #tpu.memory_space<hbm>>
      tpu.wait_dma2 semaphore(%run_scoped3A : memref<!tpu.dma_semaphore, #tpu.memory_space<semaphore_mem>>) src(%arg7 : memref<32x128xf32, #tpu.memory_space<vmem>>) dst(%dma_wait3A_55 : memref<32x128xf32, #tpu.memory_space<hbm>>)
      tpu.yield
    }) : () -> ()
    return
  }
}

module attributes {stable_mosaic.version = 14 : i64} {
  func.func @_kl_body(%arg0: memref<32x4096xf32, #tpu.memory_space<vmem>>, %arg1: memref<32x4096xf32, #tpu.memory_space<vmem>>, %arg2: memref<1x1xf32, #tpu.memory_space<smem>>) attributes {dimension_semantics = [], scalar_prefetch = 0 : i64, scratch_operands = 0 : i64, tpu.core_type = #tpu.core_type<tc>} {
    %get3A = arith.constant 0 : index
    %get3A_0 = arith.constant 0 : index
    %get3A_1 = vector.load %arg0[%get3A, %get3A_0] : memref<32x4096xf32, #tpu.memory_space<vmem>>, vector<32x4096xf32>
    %reduce_max3A = arith.constant dense<0xFF800000> : vector<4096xf32>
    %reduce_max3A_2 = vector.multi_reduction <maximumf>, %get3A_1, %reduce_max3A [0] : vector<32x4096xf32> to vector<4096xf32>
    %broadcast_in_dim3A = vector.shape_cast %reduce_max3A_2 : vector<4096xf32> to vector<1x4096xf32>
    %sub3A = vector.broadcast %broadcast_in_dim3A : vector<1x4096xf32> to vector<32x4096xf32>
    %sub3A_3 = arith.subf %get3A_1, %sub3A : vector<32x4096xf32>
    %exp3A = math.exp %sub3A_3 : vector<32x4096xf32>
    %reduce_sum3A = arith.constant dense<0.000000e+00> : vector<4096xf32>
    %reduce_sum3A_4 = vector.multi_reduction <add>, %exp3A, %reduce_sum3A [0] : vector<32x4096xf32> to vector<4096xf32>
    %broadcast_in_dim3A_5 = vector.shape_cast %reduce_sum3A_4 : vector<4096xf32> to vector<1x4096xf32>
    %div3A = vector.broadcast %broadcast_in_dim3A_5 : vector<1x4096xf32> to vector<32x4096xf32>
    %div3A_6 = arith.divf %exp3A, %div3A : vector<32x4096xf32>
    %get3A_7 = arith.constant 0 : index
    %get3A_8 = arith.constant 0 : index
    %get3A_9 = vector.load %arg1[%get3A_7, %get3A_8] : memref<32x4096xf32, #tpu.memory_space<vmem>>, vector<32x4096xf32>
    %reduce_max3A_10 = arith.constant dense<0xFF800000> : vector<4096xf32>
    %reduce_max3A_11 = vector.multi_reduction <maximumf>, %get3A_9, %reduce_max3A_10 [0] : vector<32x4096xf32> to vector<4096xf32>
    %broadcast_in_dim3A_12 = vector.shape_cast %reduce_max3A_11 : vector<4096xf32> to vector<1x4096xf32>
    %sub3A_13 = vector.broadcast %broadcast_in_dim3A_12 : vector<1x4096xf32> to vector<32x4096xf32>
    %sub3A_14 = arith.subf %get3A_9, %sub3A_13 : vector<32x4096xf32>
    %exp3A_15 = math.exp %sub3A_14 : vector<32x4096xf32>
    %reduce_sum3A_16 = arith.constant dense<0.000000e+00> : vector<4096xf32>
    %reduce_sum3A_17 = vector.multi_reduction <add>, %exp3A_15, %reduce_sum3A_16 [0] : vector<32x4096xf32> to vector<4096xf32>
    %broadcast_in_dim3A_18 = vector.shape_cast %reduce_sum3A_17 : vector<4096xf32> to vector<1x4096xf32>
    %div3A_19 = vector.broadcast %broadcast_in_dim3A_18 : vector<1x4096xf32> to vector<32x4096xf32>
    %div3A_20 = arith.divf %exp3A_15, %div3A_19 : vector<32x4096xf32>
    %div3A_21 = arith.divf %div3A_6, %div3A_20 : vector<32x4096xf32>
    %log3A = math.log %div3A_21 : vector<32x4096xf32>
    %mul3A = arith.mulf %div3A_6, %log3A : vector<32x4096xf32>
    %reduce_sum3A_22 = vector.shape_cast %mul3A : vector<32x4096xf32> to vector<1x32x4096xf32>
    %reduce_sum3A_23 = arith.constant dense<0.000000e+00> : vector<1xf32>
    %reduce_sum3A_24 = vector.multi_reduction <add>, %reduce_sum3A_22, %reduce_sum3A_23 [1, 2] : vector<1x32x4096xf32> to vector<1xf32>
    %reduce_sum3A_25 = vector.shape_cast %reduce_sum3A_24 : vector<1xf32> to vector<1x1x1xf32>
    %reduce_sum3A_26 = vector.extract %reduce_sum3A_25[0, 0, 0] : f32 from vector<1x1x1xf32>
    %sub3A_27 = arith.constant 1.000000e+00 : f32
    %sub3A_28 = vector.broadcast %sub3A_27 : f32 to vector<32x4096xf32>
    %sub3A_29 = arith.subf %sub3A_28, %div3A_6 : vector<32x4096xf32>
    %sub3A_30 = arith.constant 1.000000e+00 : f32
    %sub3A_31 = vector.broadcast %sub3A_30 : f32 to vector<32x4096xf32>
    %sub3A_32 = arith.subf %sub3A_31, %div3A_6 : vector<32x4096xf32>
    %sub3A_33 = arith.constant 1.000000e+00 : f32
    %sub3A_34 = vector.broadcast %sub3A_33 : f32 to vector<32x4096xf32>
    %sub3A_35 = arith.subf %sub3A_34, %div3A_20 : vector<32x4096xf32>
    %div3A_36 = arith.divf %sub3A_32, %sub3A_35 : vector<32x4096xf32>
    %log3A_37 = math.log %div3A_36 : vector<32x4096xf32>
    %mul3A_38 = arith.mulf %sub3A_29, %log3A_37 : vector<32x4096xf32>
    %reduce_sum3A_39 = vector.shape_cast %mul3A_38 : vector<32x4096xf32> to vector<1x32x4096xf32>
    %reduce_sum3A_40 = arith.constant dense<0.000000e+00> : vector<1xf32>
    %reduce_sum3A_41 = vector.multi_reduction <add>, %reduce_sum3A_39, %reduce_sum3A_40 [1, 2] : vector<1x32x4096xf32> to vector<1xf32>
    %reduce_sum3A_42 = vector.shape_cast %reduce_sum3A_41 : vector<1xf32> to vector<1x1x1xf32>
    %reduce_sum3A_43 = vector.extract %reduce_sum3A_42[0, 0, 0] : f32 from vector<1x1x1xf32>
    %add3A = arith.addf %reduce_sum3A_26, %reduce_sum3A_43 : f32
    %swap3A = arith.constant 0 : index
    %swap3A_44 = arith.constant 0 : index
    %swap3A_45 = memref.load %arg2[%swap3A, %swap3A_44] : memref<1x1xf32, #tpu.memory_space<smem>>
    memref.store %add3A, %arg2[%swap3A, %swap3A_44] : memref<1x1xf32, #tpu.memory_space<smem>>
    return
  }
}

</mosaic_0001>

<sc_bundles>
// kernel: kernel.4.cloned.1.call-start
scs
__scs_entry_jumppad:
0x0: {  	(pc) =	sbr.rel $0x88, $3  }
0x1: {  	(tag) =	ssettag $0x0;
	lr =	simm.s32 $0x1  }
0x2: {  	[smem:$0x3F9E] =	sst lr;
	_ =	strace $0xD0000000  }
0x3: {  	_ = 	snop  }
0x4: {  	_ = 	snop  }
0x5: {  	_ = 	snop  }
0x6: {  	_ = 	snop  }
0x7: {  	_ = 	snop  }
__scs_overlays_trampoline_lowered:
0x8: {  	[smem:$0x3FAD] =	sst s0  }
0x9: {  	[smem:$0x3FAE] =	sst s1  }
0xa: {  	[smem:$0x3FAF] =	sst s2  }
0xb: {  	[smem:$0x3FB0] =	sst s3  }
0xc: {  	[smem:$0x3FB1] =	sst s4  }
0xd: {  	[smem:$0x3FB2] =	sst s5  }
0xe: {  	[smem:$0x3FB3] =	sst s6  }
0xf: {  	[smem:$0x3FB4] =	sst s7  }
0x10: {  	[smem:$0x3FB5] =	sst s8  }
0x11: {  	[smem:$0x3FB6] =	sst s9;
	s0 =	simm.s32 @!p0 $0x0  }
0x12: {  	s1 =	sld [smem:$0x3F9C];
	s0 =	simm.s32 @p0 $0x1  }
0x13: {  	[smem:$0x3FB7] =	sst s0;
	s0 =	simm.s32 @!p1 $0x0  }
0x14: {  	s2 =	sld [smem:$0x3F9B];
	s0 =	simm.s32 @p1 $0x1  }
0x15: {  	[smem:$0x3FB8] =	sst s0;
	s0 =	simm.s32 @!p2 $0x0  }
0x16: {  	s3 =	sld [smem:$0x3FDB];
	s0 =	simm.s32 @p2 $0x1  }
0x17: {  	s4 =	simm.s32 $0x1BF5;
	[smem:$0x3FBA] =	sst s0  }
0x18: {  	s0 =	sld [smem:$0x3F9D];
	_ =	swait.ge [sflag:s4], $0x0  }
0x19: {  	s7 =	sld [smem:$0x3F9E]  }
0x1a: {  	s8 =	sadd.s32 $0xFFFFE003, lr  }
0x1b: {  	s9 =	sadd.s32 $0xFFFFFEF7, lr;
	s5 =	simm.s32 $0xFFFFFFFF;
	p2 =	slt.u32 s8, $0xFFFFF086  }
0x1c: {  	p1 =	slt.u32 s9, $0xF7A;
	s5 =	simm.s32 @!p2 $0x0  }
0x1d: {  	s5 =	simm.s32 @p1 $0x1;
	p0 =	seq.s32 s7, s2  }
0x1e: {  	s7 =	smul.u32 @!p0 $0xF7A, s2;
	p2 =	seq.s32 @!p0 s5, $0x0  }
0x1f: {  	s9 =	smul.u32 $0xF7A, s1;
	s8 =	simm.s32 @!p0 $0x1BF5;
	p2 =	por !p2, p0  }
0x20: {  	[sflag:s8] =	ssyncset.s32 @!p0 $0xFFFFF086;
	s6 =	sadd.s32 @!p0 s3, s7;
	s7 =	simm.s32 @!p0 $0x108  }
0x21: {  	s3 =	sadd.s32 s3, s9;
	s6 =	sadd.s32 @!p0 $0x88, s6;
	s7 =	simm.s32 @p2 $0x1082  }
0x22: {  	[simem:s7], [sflag:s8] =	dma.local @!p0 [hbm:s6], $0xF7A  }
0x23: {  	s9 =	sor.u32 $0xD0000000, s2;
	s6 =	simm.s32 $0x108;
	_ =	swait.ge @!p0 [sflag:s8], $0x0  }
0x24: {  	s3 =	sadd.s32 $0x88, s3;
	s6 =	simm.s32 @!p1 $0x1082;
	[sflag:s4] =	ssyncset.s32 $0xFFFFF086  }
0x25: {  	[simem:s6], [sflag:s4] =	dma.local [hbm:s3], $0xF7A  }
0x26: {  	[smem:$0x3F9E] =	sst s1;
	(tag) =	ssettag s2;
	_ =	strace s9  }
0x27: {  	s1 =	sld [smem:$0x3FAE]  }
0x28: {  	s2 =	sld [smem:$0x3FAF]  }
0x29: {  	s4 =	sld [smem:$0x3FB1]  }
0x2a: {  	p0 =	seq.s32 s5, $0x0;
	s5 =	sld [smem:$0x3FB2]  }
0x2b: {  	s6 =	sld [smem:$0x3FB3]  }
0x2c: {  	s7 =	sld [smem:$0x3FB4]  }
0x2d: {  	s3 =	simm.s32 $0x108;
	s8 =	sld [smem:$0x3FB5]  }
0x2e: {  	s3 =	simm.s32 @!p0 $0x1082;
	s9 =	sld [smem:$0x3FB6]  }
0x2f: {  	lr =	sadd.s32 s0, s3;
	s0 =	sld [smem:$0x3FAD]  }
0x30: {  	s3 =	sld [smem:$0x3FB0]  }
0x31: {  	[smem:$0x3FB9] =	sst s10  }
0x32: {  	s10 =	sld [smem:$0x3FB7];
	_ =	sdelay $0x3  }
0x33: {  	p0 =	seq.s32 s10, $0x1;
	s10 =	sld [smem:$0x3FB9];
	_ =	sdelay $0x3  }
0x34: {  	[smem:$0x3FB9] =	sst s10  }
0x35: {  	s10 =	sld [smem:$0x3FB8];
	_ =	sdelay $0x3  }
0x36: {  	p1 =	seq.s32 s10, $0x1;
	s10 =	sld [smem:$0x3FB9];
	_ =	sdelay $0x3  }
0x37: {  	[smem:$0x3FB9] =	sst s10  }
0x38: {  	s10 =	sld [smem:$0x3FBA]  }
0x39: {  	_ = 	snop;
	(pc) =	sbr.ind lr, $3  }
0x3a: {  	_ = 	snop  }
0x3b: {  	_ = 	snop  }
0x3c: {  	p2 =	seq.s32 s10, $0x1;
	s10 =	sld [smem:$0x3FB9]  }
0x3d: {  	_ =	shalt  }
0x3e: {  	_ =	shalt  }
0x3f: {  	_ =	shalt  }
0x40: {  	_ =	shalt  }
0x41: {  	_ =	shalt  }
0x42: {  	_ =	shalt  }
0x43: {  	_ =	shalt  }
0x44: {  	_ =	shalt  }
0x45: {  	_ =	shalt  }
0x46: {  	_ =	shalt  }
0x47: {  	_ =	shalt  }
0x48: {  	_ =	shalt  }
0x49: {  	_ =	shalt  }
0x4a: {  	_ =	shalt  }
0x4b: {  	_ =	shalt  }
0x4c: {  	_ =	shalt  }
0x4d: {  	_ =	shalt  }
0x4e: {  	_ =	shalt  }
0x4f: {  	_ =	shalt  }
0x50: {  	_ =	shalt  }
0x51: {  	_ =	shalt  }
0x52: {  	_ =	shalt  }
0x53: {  	_ =	shalt  }
0x54: {  	_ =	shalt  }
0x55: {  	_ =	shalt  }
0x56: {  	_ =	shalt  }
0x57: {  	_ =	shalt  }
0x58: {  	_ =	shalt  }
0x59: {  	_ =	shalt  }
0x5a: {  	_ =	shalt  }
0x5b: {  	_ =	shalt  }
0x5c: {  	_ =	shalt  }
0x5d: {  	_ =	shalt  }
0x5e: {  	_ =	shalt  }
0x5f: {  	_ =	shalt  }
0x60: {  	_ =	shalt  }
0x61: {  	_ =	shalt  }
0x62: {  	_ =	shalt  }
0x63: {  	_ =	shalt  }
0x64: {  	_ =	shalt  }
0x65: {  	_ =	shalt  }
0x66: {  	_ =	shalt  }
0x67: {  	_ =	shalt  }
0x68: {  	_ =	shalt  }
0x69: {  	_ =	shalt  }
0x6a: {  	_ =	shalt  }
0x6b: {  	_ =	shalt  }
0x6c: {  	_ =	shalt  }
0x6d: {  	_ =	shalt  }
0x6e: {  	_ =	shalt  }
0x6f: {  	_ =	shalt  }
0x70: {  	_ =	shalt  }
0x71: {  	_ =	shalt  }
0x72: {  	_ =	shalt  }
0x73: {  	_ =	shalt  }
0x74: {  	_ =	shalt  }
0x75: {  	_ =	shalt  }
0x76: {  	_ =	shalt  }
0x77: {  	_ =	shalt  }
0x78: {  	_ =	shalt  }
0x79: {  	_ =	shalt  }
0x7a: {  	_ =	shalt  }
0x7b: {  	_ =	shalt  }
0x7c: {  	_ =	shalt  }
0x7d: {  	_ =	shalt  }
0x7e: {  	_ =	shalt  }
0x7f: {  	_ =	shalt  }
0x80: {  	_ =	shalt  }
0x81: {  	_ =	shalt  }
0x82: {  	_ =	shalt  }
0x83: {  	_ =	shalt  }
0x84: {  	_ =	shalt  }
0x85: {  	_ =	shalt  }
0x86: {  	_ =	shalt  }
0x87: {  	_ =	shalt  }
.Lfunc_end0:
.L_simem_size_0:
called_computation_lowered:
.L_overlay_start_0:
0x88: {  	s2 =	sld [smem:$0x3FD9]  }
0x89: {  	s3 =	sld [smem:$0x3FFE];
	_ =	sdelay $0x1  }
0x8a: {  	s1 =	srdreg.scid  }
0x8b: {  	s0 =	sand.u32 $0x1, s1  }
0x8c: {  	s17 =	sshll.u32 s0, $0xA;
	s2 =	sadd.s32 s3, s2  }
0x8d: {  	s2 =	sadd.s32 s2, s17  }
0x8e: {  	[smem:$0x3FC5] =	sst s2  }
0x8f: {  	_ = 	snop  }
0x90: {  	s2 =	sld [smem:$0x3FC8]  }
0x91: {  	s18 =	sld [smem:$0x3FC7];
	(tm) =	ssettm $0x1  }
0x92: {  	s4 =	sld [smem:$0x3FFB];
	_ =	sdelay $0x3  }
0x93: {  	_ =	strace s4  }
0x94: {  	s4 =	sld [smem:$0x3FFC];
	_ =	sdelay $0x3  }
0x95: {  	_ =	strace s4  }
0x96: {  	s4 =	sld [smem:$0x3FFD];
	_ =	sdelay $0x3  }
0x97: {  	_ =	strace s4  }
0x98: {  	_ =	strace $0x8FFFFFFF  }
0x99: {  	s19 =	sld [smem:$0x3FDB];
	_ =	sdelay $0x1  }
0x9a: {  	s5 =	simm.s32 $_scs_section_size  }
0x9b: {  	s6 =	simm.s32 $_size__tile_overlayer_lowered;
	s7 =	simm.s32 $_tile_overlayer_lowered  }
0x9c: {  	s22 =	simm.s32 $0x1BFF;
	s21 =	sshll.u32 s7, $0x1;
	s4 =	sadd.s32 s5, s19  }
0x9d: {  	s8 =	simm.s32 $0x0;
	s20 =	sshll.u32 s6, $0x1;
	s6 =	sadd.s32 s21, s4  }
0x9e: {  	[timem:s8], [sflag:s22] =	dma.local [hbm:s6], s20  }
0x9f: {  	_ =	swait.ge [sflag:s22], s20  }
0xa0: {  	s5 =	ssub.s32 $0x0, s20;
	[sflag:s22] =	ssyncset.done $0x0  }
0xa1: {  	[sflag:s22] =	ssyncadd.s32 s5;
	_ =	sdelay $0x1  }
0xa2: {  	s23 =	simm.s32 $0x1B8B  }
0xa3: {  	_ =	swait.ge [sflag:s23], $0x1  }
0xa4: {  	[sflag:s23] =	ssyncset.done $0x0  }
0xa5: {  	s25 =	simm.s32 $0x1B8E;
	s24 =	sld [smem:$0x3FFE];
	[sflag:s23] =	ssyncadd.s32 $0xFFFFFFFF  }
0xa6: {  	s26 =	simm.s32 $execute0_lowered;
	[smem:$0x3FD2] =	sst s25  }
0xa7: {  	s6 =	sshll.u32 s26, $0x1;
	_ =	strace $0x80000046;
	[dreg:$0x1] =	wrdreg $0xFFFFFFFF  }
0xa8: {  	s28 =	simm.s32 $_size_execute0_lowered;
	s4 =	sadd.s32 s4, s6;
	[dreg:$0x0] =	wrdreg $0x0  }
0xa9: {  	s6 =	sshll.u32 s28, $0x1;
	[dreg:$0x2] =	wrdreg s4  }
0xaa: {  	[dreg:$0x3] =	wrdreg s6  }
0xab: {  	[dreg:$0x4] =	wrdreg $0xC0  }
0xac: {  	_ =	task [dreg:s8], $0x5FFFF  }
0xad: {  	[dreg:$0x1] =	wrdreg $0xFFFFFFFF  }
0xae: {  	[dreg:$0x0] =	wrdreg $0x60  }
0xaf: {  	[dreg:$0x2] =	wrdreg s2  }
0xb0: {  	[dreg:$0x3] =	wrdreg s18  }
0xb1: {  	[dreg:$0x4] =	wrdreg s24  }
0xb2: {  	[dreg:$0x5] =	wrdreg $0x9  }
0xb3: {  	_ =	task.clear_ibuf [dreg:s8], $0x6FFFF;
	_ =	strace $0x90000046  }
0xb4: {  	s29 =	simm.s32 $0x9;
	_ =	strace $0x80000048  }
0xb5: {  	_ =	swait.ge [sflag:s29], $0x1  }
0xb6: {  	[sflag:s29] =	ssyncadd.s32 $0xFFFFFFFF  }
0xb7: {  	_ =	strace $0x90000048  }
0xb8: {  	_ =	sfence  }
0xb9: {  	s30 =	sld [smem:$0x0];
	_ =	sdelay $0x2  }
0xba: {  	s31 =	sshll.u32 s1, $0xD;
	s1 =	sshrl.u32 s1, $0x2  }
0xbb: {  	s3 =	sand.u32 $0x4000, s31;
	s1 =	sadd.s32 s1, s30  }
0xbc: {  	s0 =	sor.u32 s3, s0;
	s1 =	sshll.u32 s1, $0x11  }
0xbd: {  	s0 =	sor.u32 s1, s0  }
0xbe: {  	s0 =	sadd.s32 $0x8F2B, s0  }
0xbf: {  	[sflag:s0] =	ssyncadd.remote.s32 $0x1  }
0xc0: {  	_ =	sfence.sel $0xFFFF  }
0xc1: {  	[dreg:$0x0] =	wrdreg $0xFFFFFFFF;
	(pc) =	sbr.abs _section_cstart, $3  }
0xc2: {  	[dreg:$0x1] =	wrdreg $0xFFFFFFFF  }
0xc3: {  	_ =	task.clear_ibuf [dreg:s8], $0x2FFFF;
	_ =	strace $0x9FFFFFFF  }
0xc4: {  	(tm) =	ssettm $0x7FFFFFFF  }
0xc5: {  	_ =	shalt  }
tec
execute0_lowered:
.L_overlay_start_1:
0x0: {  	(tag) =	ssettag $0x1  }
0x1: {  	s1 =	rddreg [dreg:$0x0]  }
0x2: {  	s0 =	rddreg [dreg:$0x1]  }
0x3: {  	s2 =	rddreg [dreg:$0x2];
	s3 =	simm.s32 $0x0  }
0x4: {  	s4 =	srdreg.scid;
	s5 =	stileid.u32;
	s15 =	simm.s32 $0x1880  }
0x5: {  	s16 =	simm.s32 $0x2080;
	s17 =	simm.s32 $0x2880;
	s18 =	simm.s32 $0x3080  }
0x6: {  	s19 =	simm.s32 $0x3880;
	s20 =	simm.s32 $0x4080;
	s21 =	simm.s32 $0x4880  }
0x7: {  	s22 =	simm.s32 $0x5080;
	s23 =	simm.s32 $0x5880;
	s24 =	simm.s32 $0x6080  }
0x8: {  	s25 =	simm.s32 $0x6880;
	s26 =	simm.s32 $0x7080;
	s4 =	sand.u32 $0x1, s4  }
0x9: {  	s28 =	simm.s32 $0x7880;
	s5 =	sshll.u32 s5, $0x8;
	s6 =	sshll.u32 s4, $0x7  }
0xa: {  	v0 =	vlaneseq.u32;
	s29 =	simm.s32 $0xC080;
	s7 =	ssub.s32 $0x2, s4;
	s4 =	sor.u32 s6, s5  }
0xb: {  	s30 =	simm.s32 $0x0;
	[smem:$0x7FF] =	sst s3;
	s8 =	sadd.s32 $0x300, s1;
	v1 =	vmul.u32 $0x8, v0;
	v2 =	vmov s4  }
0xc: {  	_ =	strace $0x80000047;
	s6 =	sshrl.u32 s4, $0x3;
	s14 =	sor.u32 $0x10, s4;
	v2 =	vshll.u32 v2, $0x3  }
0xd: {  	s13 =	sshrl.u32 s7, $0x1;
	s2 =	sadd.s32 s4, s2;
	s0 =	sadd.s32 s0, s6;
	v3 =	vmov s14;
	v2 =	vor.u32 v1, v2  }
0xe: {  	s5 =	ssub.s32 s7, s13;
	s2 =	sadd.s32 $0x800, s2;
	[dreg:$0x4] =	wrdreg s0;
	v5 =	vshll.u32 v3, $0x3;
	v4 =	vand.u32 $0x7FFFFC40, v2;
	v2 =	vand.u32 $0x7, v0  }
0xf: {  	s7 =	sadd.s32 $0x200, s1;
	s31 =	smax.u32 s5, $0x1;
	[dreg:$0x5] =	wrdreg s2;
	v3 =	vor.u32 v2, v4;
	v4 =	vor.u32 v1, v5;
	v5 =	vshrl.u32 v0, $0x3  }
0x10: {  	vm0 =	vmmov $0xffff;
	v6 =	vor.u32 $0x8, v0;
	s6 =	sadd.s32 $0x100, s1;
	[dreg:$0x6] =	wrdreg s31;
	s2 =	simm.s32 $0x4;
	v5 =	vmul.u32 $0x8, v5  }
.LBB2_1:
0x11: {  	s0 =	rddreg [dreg:$0x4]  }
0x12: {  	[tilespmem:s3], [sflag:$0x4] =	stream.linear.gather [hbm4b:s0+s3], $0x80, $0x38;
	[tilespmem:$0xD080] =	vst v63  }
0x13: {  	_ =	swait.ge [sflag:s2], $0x80  }
0x14: {  	[sflag:s2] =	ssyncset.done $0x0  }
0x15: {  	[sflag:s2] =	ssyncadd.s32 $0xFFFFFF80  }
0x16: {  	v7 =	vld [tilespmem:$0x0];
	_ =	sdelay $0x4  }
0x17: {  	v7 =	vshll.u32 v7, $0xF  }
0x18: {  	v7 =	vor.u32 v7, v3  }
0x19: {  	v8 =	vperm.xlane v7, v2;
	_ =	sdelay $0x1  }
0x1a: {  	v8 =	vadd.s32 v5, v8;
	_ =	sdelay $0x3  }
0x1b: {  	s12 =	simm.s32 $0x80  }
0x1c: {  	[tilespmem:s12], [sflag:$0x1] =	stream.indirect_vreg.gather [hbm4b:s1+s3], $0x80, v8, vm0, $0xb8;
	[tilespmem:$0xD080] =	vst v63  }
0x1d: {  	s13 =	simm.s32 $0x880;
	v7 =	vperm.xlane v7, v6  }
0x1e: {  	[tilespmem:s13], [sflag:$0x1] =	stream.indirect_vreg.gather [hbm4b:s6+s3], $0x80, v8, vm0, $0xb8;
	[tilespmem:$0xD080] =	vst v63  }
0x1f: {  	s14 =	simm.s32 $0x1080;
	v7 =	vadd.s32 v5, v7  }
0x20: {  	[tilespmem:s14], [sflag:$0x1] =	stream.indirect_vreg.gather [hbm4b:s7+s3], $0x80, v8, vm0, $0xb8;
	[tilespmem:$0xD080] =	vst v63  }
0x21: {  	_ = 	snop  }
0x22: {  	[tilespmem:s15], [sflag:$0x1] =	stream.indirect_vreg.gather [hbm4b:s8+s3], $0x80, v8, vm0, $0xb8;
	[tilespmem:$0xD080] =	vst v63  }
0x23: {  	_ = 	snop  }
0x24: {  	[tilespmem:s16], [sflag:$0x1] =	stream.indirect_vreg.gather [hbm4b:s1+s3], $0x80, v7, vm0, $0xb8;
	[tilespmem:$0xD080] =	vst v63  }
0x25: {  	_ = 	snop  }
0x26: {  	[tilespmem:s17], [sflag:$0x1] =	stream.indirect_vreg.gather [hbm4b:s6+s3], $0x80, v7, vm0, $0xb8;
	[tilespmem:$0xD080] =	vst v63  }
0x27: {  	_ = 	snop  }
0x28: {  	[tilespmem:s18], [sflag:$0x1] =	stream.indirect_vreg.gather [hbm4b:s7+s3], $0x80, v7, vm0, $0xb8;
	[tilespmem:$0xD080] =	vst v63  }
0x29: {  	_ = 	snop  }
0x2a: {  	[tilespmem:s19], [sflag:$0x1] =	stream.indirect_vreg.gather [hbm4b:s8+s3], $0x80, v7, vm0, $0xb8;
	[tilespmem:$0xD080] =	vst v63  }
0x2b: {  	v7 =	vld [tilespmem:$0x10];
	_ =	sdelay $0x4  }
0x2c: {  	v7 =	vshll.u32 v7, $0xF  }
0x2d: {  	v7 =	vadd.s32 v4, v7  }
0x2e: {  	v7 =	vand.u32 $0xFFFFFFC0, v7  }
0x2f: {  	v7 =	vor.u32 v2, v7  }
0x30: {  	v8 =	vperm.xlane v7, v2;
	_ =	sdelay $0x1  }
0x31: {  	v8 =	vadd.s32 v5, v8;
	_ =	sdelay $0x4  }
0x32: {  	[tilespmem:s20], [sflag:$0x2] =	stream.indirect_vreg.gather [hbm4b:s1+s3], $0x80, v8, vm0, $0xb8;
	[tilespmem:$0xD080] =	vst v63  }
0x33: {  	v7 =	vperm.xlane v7, v6  }
0x34: {  	[tilespmem:s21], [sflag:$0x2] =	stream.indirect_vreg.gather [hbm4b:s6+s3], $0x80, v8, vm0, $0xb8;
	[tilespmem:$0xD080] =	vst v63  }
0x35: {  	v7 =	vadd.s32 v5, v7  }
0x36: {  	[tilespmem:s22], [sflag:$0x2] =	stream.indirect_vreg.gather [hbm4b:s7+s3], $0x80, v8, vm0, $0xb8;
	[tilespmem:$0xD080] =	vst v63  }
0x37: {  	_ = 	snop  }
0x38: {  	[tilespmem:s23], [sflag:$0x2] =	stream.indirect_vreg.gather [hbm4b:s8+s3], $0x80, v8, vm0, $0xb8;
	[tilespmem:$0xD080] =	vst v63  }
0x39: {  	_ = 	snop  }
0x3a: {  	[tilespmem:s24], [sflag:$0x2] =	stream.indirect_vreg.gather [hbm4b:s1+s3], $0x80, v7, vm0, $0xb8;
	[tilespmem:$0xD080] =	vst v63  }
0x3b: {  	_ = 	snop  }
0x3c: {  	[tilespmem:s25], [sflag:$0x2] =	stream.indirect_vreg.gather [hbm4b:s6+s3], $0x80, v7, vm0, $0xb8;
	[tilespmem:$0xD080] =	vst v63  }
0x3d: {  	_ = 	snop  }
0x3e: {  	[tilespmem:s26], [sflag:$0x2] =	stream.indirect_vreg.gather [hbm4b:s7+s3], $0x80, v7, vm0, $0xb8;
	[tilespmem:$0xD080] =	vst v63  }
0x3f: {  	s31 =	simm.s32 $0x0  }
0x40: {  	[tilespmem:s28], [sflag:$0x2] =	stream.indirect_vreg.gather [hbm4b:s8+s3], $0x80, v7, vm0, $0xb8;
	[tilespmem:$0xD080] =	vst v63  }
.LBB2_2:
0x41: {  	p0 =	sgt.u32 s31, $0x5  }
.Ltmp0:
0x42: {  	_ = 	snop;
	(pc) =	sbr.rel @p0 .LBB2_6-.Ltmp0, $1  }
0x43: {  	_ =	sdelay $0x3  }
0x44: {  	s0 =	sadd.s32 $0x2, s31  }
0x45: {  	s5 =	smul.u32 $0xAB, s0  }
0x46: {  	s2 =	sshll.u32 s0, $0x4  }
0x47: {  	v7 =	vld [tilespmem:s2+$0x0];
	s2 =	sadd.s32 s4, s2;
	s14 =	sshrl.u32 s5, $0x9  }
0x48: {  	v8 =	vmov s2;
	s2 =	sand.u32 $0x7F, s14  }
0x49: {  	s2 =	smul.u32 $0x3, s2;
	_ =	sdelay $0x1  }
0x4a: {  	v8 =	vshll.u32 v8, $0x3;
	s0 =	ssub.s32 s0, s2  }
0x4b: {  	v8 =	vor.u32 v1, v8;
	v7 =	vshll.u32 v7, $0xF;
	s0 =	sand.u32 $0xFF, s0  }
0x4c: {  	v7 =	vadd.s32 v8, v7;
	p0 =	seq.s32 s0, $0x2  }
.Ltmp1:
0x4d: {  	v7 =	vand.u32 $0xFFFFFFC0, v7;
	(pc) =	sbr.rel @p0 .LBB2_5-.Ltmp1, $3  }
0x4e: {  	v8 =	vor.u32 v2, v7  }
0x4f: {  	v7 =	vperm.xlane v8, v2;
	_ =	sdelay $0x1  }
0x50: {  	v7 =	vadd.s32 v5, v7  }
0x51: {  	_ =	sdelay $0x2  }
0x52: {  	p0 =	seq.s32 s0, $0x1  }
0x53: {  	[tilespmem:s20], [sflag:$0x2] =	stream.indirect_vreg.gather @p0 [hbm4b:s1+s3], $0x80, v7, vm0, $0xb8;
	[tilespmem:$0xD080] =	vst v63  }
0x54: {  	v8 =	vperm.xlane @p0 v8, v6  }
0x55: {  	[tilespmem:s21], [sflag:$0x2] =	stream.indirect_vreg.gather @p0 [hbm4b:s6+s3], $0x80, v7, vm0, $0xb8;
	[tilespmem:$0xD080] =	vst v63  }
0x56: {  	v8 =	vadd.s32 @p0 v5, v8  }
0x57: {  	[tilespmem:s22], [sflag:$0x2] =	stream.indirect_vreg.gather @p0 [hbm4b:s7+s3], $0x80, v7, vm0, $0xb8;
	[tilespmem:$0xD080] =	vst v63  }
0x58: {  	_ = 	snop  }
0x59: {  	[tilespmem:s23], [sflag:$0x2] =	stream.indirect_vreg.gather @p0 [hbm4b:s8+s3], $0x80, v7, vm0, $0xb8;
	[tilespmem:$0xD080] =	vst v63  }
0x5a: {  	_ = 	snop  }
0x5b: {  	[tilespmem:s24], [sflag:$0x2] =	stream.indirect_vreg.gather @p0 [hbm4b:s1+s3], $0x80, v8, vm0, $0xb8;
	[tilespmem:$0xD080] =	vst v63  }
0x5c: {  	_ = 	snop  }
0x5d: {  	[tilespmem:s25], [sflag:$0x2] =	stream.indirect_vreg.gather @p0 [hbm4b:s6+s3], $0x80, v8, vm0, $0xb8;
	[tilespmem:$0xD080] =	vst v63  }
0x5e: {  	_ = 	snop  }
0x5f: {  	[tilespmem:s26], [sflag:$0x2] =	stream.indirect_vreg.gather @p0 [hbm4b:s7+s3], $0x80, v8, vm0, $0xb8;
	[tilespmem:$0xD080] =	vst v63  }
0x60: {  	_ = 	snop  }
0x61: {  	[tilespmem:s28], [sflag:$0x2] =	stream.indirect_vreg.gather @p0 [hbm4b:s8+s3], $0x80, v8, vm0, $0xb8;
	[tilespmem:$0xD080] =	vst v63  }
0x62: {  	s0 =	simm.s32 @!p0 $0x80  }
0x63: {  	[tilespmem:s0], [sflag:$0x1] =	stream.indirect_vreg.gather @!p0 [hbm4b:s1+s3], $0x80, v7, vm0, $0xb8;
	[tilespmem:$0xD080] =	vst v63  }
0x64: {  	v8 =	vperm.xlane @!p0 v8, v6;
	s0 =	simm.s32 @!p0 $0x880  }
0x65: {  	[tilespmem:s0], [sflag:$0x1] =	stream.indirect_vreg.gather @!p0 [hbm4b:s6+s3], $0x80, v7, vm0, $0xb8;
	[tilespmem:$0xD080] =	vst v63  }
0x66: {  	v8 =	vadd.s32 @!p0 v5, v8;
	s0 =	simm.s32 @!p0 $0x1080  }
0x67: {  	[tilespmem:s0], [sflag:$0x1] =	stream.indirect_vreg.gather @!p0 [hbm4b:s7+s3], $0x80, v7, vm0, $0xb8;
	[tilespmem:$0xD080] =	vst v63  }
0x68: {  	_ = 	snop  }
0x69: {  	[tilespmem:s15], [sflag:$0x1] =	stream.indirect_vreg.gather @!p0 [hbm4b:s8+s3], $0x80, v7, vm0, $0xb8;
	[tilespmem:$0xD080] =	vst v63  }
0x6a: {  	_ = 	snop  }
0x6b: {  	[tilespmem:s16], [sflag:$0x1] =	stream.indirect_vreg.gather @!p0 [hbm4b:s1+s3], $0x80, v8, vm0, $0xb8;
	[tilespmem:$0xD080] =	vst v63  }
0x6c: {  	_ = 	snop  }
0x6d: {  	[tilespmem:s17], [sflag:$0x1] =	stream.indirect_vreg.gather @!p0 [hbm4b:s6+s3], $0x80, v8, vm0, $0xb8;
	[tilespmem:$0xD080] =	vst v63  }
.Ltmp2:
0x6e: {  	_ = 	snop;
	(pc) =	sbr.rel .LBB2_6-.Ltmp2, $4  }
0x6f: {  	_ = 	snop  }
0x70: {  	[tilespmem:s18], [sflag:$0x1] =	stream.indirect_vreg.gather @!p0 [hbm4b:s7+s3], $0x80, v8, vm0, $0xb8;
	[tilespmem:$0xD080] =	vst v63  }
0x71: {  	_ = 	snop  }
0x72: {  	[tilespmem:s19], [sflag:$0x1] =	stream.indirect_vreg.gather @!p0 [hbm4b:s8+s3], $0x80, v8, vm0, $0xb8;
	[tilespmem:$0xD080] =	vst v63  }
.LBB2_5:
0x73: {  	_ =	sdelay $0x2  }
0x74: {  	s0 =	simm.s32 $0x8080  }
0x75: {  	[tilespmem:s0], [sflag:$0x3] =	stream.indirect_vreg.gather [hbm4b:s1+s3], $0x80, v7, vm0, $0xb8;
	[tilespmem:$0xD080] =	vst v63  }
0x76: {  	v8 =	vperm.xlane v8, v6;
	s5 =	simm.s32 $0x8880  }
0x77: {  	[tilespmem:s5], [sflag:$0x3] =	stream.indirect_vreg.gather [hbm4b:s6+s3], $0x80, v7, vm0, $0xb8;
	[tilespmem:$0xD080] =	vst v63  }
0x78: {  	s9 =	simm.s32 $0x9080;
	v8 =	vadd.s32 v5, v8  }
0x79: {  	[tilespmem:s9], [sflag:$0x3] =	stream.indirect_vreg.gather [hbm4b:s7+s3], $0x80, v7, vm0, $0xb8;
	[tilespmem:$0xD080] =	vst v63  }
0x7a: {  	s10 =	simm.s32 $0x9880  }
0x7b: {  	[tilespmem:s10], [sflag:$0x3] =	stream.indirect_vreg.gather [hbm4b:s8+s3], $0x80, v7, vm0, $0xb8;
	[tilespmem:$0xD080] =	vst v63  }
0x7c: {  	s11 =	simm.s32 $0xA080  }
0x7d: {  	[tilespmem:s11], [sflag:$0x3] =	stream.indirect_vreg.gather [hbm4b:s1+s3], $0x80, v8, vm0, $0xb8;
	[tilespmem:$0xD080] =	vst v63  }
0x7e: {  	s12 =	simm.s32 $0xA880  }
0x7f: {  	[tilespmem:s12], [sflag:$0x3] =	stream.indirect_vreg.gather [hbm4b:s6+s3], $0x80, v8, vm0, $0xb8;
	[tilespmem:$0xD080] =	vst v63  }
0x80: {  	s13 =	simm.s32 $0xB080  }
0x81: {  	[tilespmem:s13], [sflag:$0x3] =	stream.indirect_vreg.gather [hbm4b:s7+s3], $0x80, v8, vm0, $0xb8;
	[tilespmem:$0xD080] =	vst v63  }
0x82: {  	s14 =	simm.s32 $0xB880  }
0x83: {  	[tilespmem:s14], [sflag:$0x3] =	stream.indirect_vreg.gather [hbm4b:s8+s3], $0x80, v8, vm0, $0xb8;
	[tilespmem:$0xD080] =	vst v63  }
.LBB2_6:
0x84: {  	s0 =	smul.u32 $0xAB, s31;
	_ =	sdelay $0x1  }
0x85: {  	s0 =	sshrl.u32 s0, $0x9  }
0x86: {  	s0 =	sand.u32 $0x7F, s0  }
0x87: {  	s0 =	smul.u32 $0x3, s0;
	_ =	sdelay $0x1  }
0x88: {  	s0 =	ssub.s32 s31, s0  }
0x89: {  	s0 =	sand.u32 $0xFF, s0  }
0x8a: {  	p0 =	seq.s32 s0, $0x0  }
0x8b: {  	p1 =	seq.s32 @!p0 s0, $0x2  }
0x8c: {  	p1 =	por !p1, p0  }
0x8d: {  	s2 =	simm.s32 @!p1 $0x3  }
0x8e: {  	s2 =	simm.s32 @p1 $0x2  }
0x8f: {  	s2 =	simm.s32 @p0 $0x1  }
0x90: {  	s5 =	simm.s32 $0x0;
	s0 =	sshll.u32 s0, $0xE;
	_ =	swait.ge [sflag:s2], $0x4000  }
0x91: {  	s9 =	simm.s32 $0x0;
	s0 =	sor.u32 $0x80, s0;
	[sflag:s2] =	ssyncset.done $0x0  }
0x92: {  	p1 =	por $0x1, $0x1;
	[sflag:s2] =	ssyncadd.s32 $0xFFFFC000;
	s2 =	sshll.u32 s31, $0x4  }
.LBB2_7:
0x93: {  	s10 =	sshll.u32 s9, $0xD  }
0x94: {  	s10 =	sand.u32 $0x3FFFE000, s10  }
0x95: {  	s11 =	sand.u32 $0x1C00, s5;
	s10 =	sadd.s32 s10, s0  }
0x96: {  	s12 =	sand.u32 $0x40, s5;
	s11 =	sadd.s32 s11, s10  }
0x97: {  	s11 =	sadd.s32 s12, s11  }
0x98: {  	v7 =	vld [tilespmem:s11+$0x230]  }
0x99: {  	v8 =	vld [tilespmem:s11+$0x1A0]  }
0x9a: {  	v9 =	vld [tilespmem:s11+$0x320]  }
0x9b: {  	v10 =	vld [tilespmem:s11+$0x130]  }
0x9c: {  	v11 =	vld [tilespmem:s11+$0xB0]  }
0x9d: {  	(xrf1) =	vsort.dscd.msk.f32 $0xffff, v7, v7;
	v7 =	vld [tilespmem:s11+$0x200]  }
0x9e: {  	v12 =	vld [tilespmem:s11+$0x280];
	(xrf1) =	vsort.ascd.msk.f32 $0xffff, v8, v8  }
0x9f: {  	v8 =	vld [tilespmem:s11+$0x0];
	(xrf1) =	vsort.ascd.msk.f32 $0xffff, v9, v9  }
0xa0: {  	v9 =	vld [tilespmem:s11+$0x210];
	(xrf1) =	vsort.dscd.msk.f32 $0xffff, v10, v10  }
0xa1: {  	v10 =	vld [tilespmem:s11+$0x3B0];
	(xrf1) =	vsort.dscd.msk.f32 $0xffff, v11, v11  }
0xa2: {  	v11 =	vld [tilespmem:s11+$0x3A0];
	(xrf1) =	vsort.ascd.msk.f32 $0xffff, v7, v7  }
0xa3: {  	v7 =	vld [tilespmem:s11+$0x310];
	(xrf1) =	vsort.ascd.msk.f32 $0xffff, v12, v12  }
0xa4: {  	v12 =	vld [tilespmem:s11+$0x110];
	(xrf1) =	vsort.ascd.msk.f32 $0xffff, v8, v8  }
0xa5: {  	v8 =	vld [tilespmem:s11+$0x180];
	(xrf1) =	vsort.dscd.msk.f32 $0xffff, v9, v9  }
0xa6: {  	v13 =	vld [tilespmem:s11+$0x100];
	(xrf1) =	vsort.dscd.msk.f32 $0xffff, v10, v10  }
0xa7: {  	v14 =	vld [tilespmem:s11+$0x90];
	(xrf1) =	vsort.ascd.msk.f32 $0xffff, v11, v11  }
0xa8: {  	v11 =	vld [tilespmem:s11+$0x1B0];
	(xrf1) =	vsort.dscd.msk.f32 $0xffff, v7, v7  }
0xa9: {  	v15 =	vld [tilespmem:s11+$0x290];
	(xrf1) =	vsort.dscd.msk.f32 $0xffff, v12, v12  }
0xaa: {  	v12 =	vld [tilespmem:s11+$0x10];
	(xrf1) =	vsort.ascd.msk.f32 $0xffff, v8, v8  }
0xab: {  	v8 =	vld [tilespmem:s11+$0x220];
	v9, _, _ =	vpop (xrf1);
	(xrf1) =	vsort.ascd.msk.f32 $0xffff, v13, v13  }
0xac: {  	v13 =	vld [tilespmem:s11+$0x80];
	v10, _, _ =	vpop (xrf1);
	(xrf1) =	vsort.dscd.msk.f32 $0xffff, v14, v14  }
0xad: {  	v14 =	vld [tilespmem:s11+$0x30];
	v16, _, _ =	vpop (xrf1);
	(xrf1) =	vsort.dscd.msk.f32 $0xffff, v11, v11  }
0xae: {  	v11 =	vld [tilespmem:s11+$0xA0];
	v7, _, _ =	vpop (xrf1);
	(xrf1) =	vsort.dscd.msk.f32 $0xffff, v15, v15  }
0xaf: {  	v15 =	vld [tilespmem:s11+$0x190];
	v17, _, _ =	vpop (xrf1);
	(xrf1) =	vsort.dscd.msk.f32 $0xffff, v12, v12  }
0xb0: {  	v12 =	vld [tilespmem:s11+$0x300];
	v18, _, _ =	vpop (xrf1);
	(xrf1) =	vsort.ascd.msk.f32 $0xffff, v8, v8  }
0xb1: {  	v8 =	vld [tilespmem:s11+$0x120];
	v19, _, _ =	vpop (xrf1);
	(xrf1) =	vsort.ascd.msk.f32 $0xffff, v13, v13  }
0xb2: {  	v13 =	vld [tilespmem:s11+$0x20];
	v20, _, _ =	vpop (xrf1);
	(xrf1) =	vsort.dscd.msk.f32 $0xffff, v14, v14  }
0xb3: {  	v21 =	vld [tilespmem:s11+$0x330];
	v14, _, _ =	vpop (xrf1);
	(xrf1) =	vsort.ascd.msk.f32 $0xffff, v11, v11  }
0xb4: {  	v11, _, _ =	vpop (xrf1);
	(xrf1) =	vsort.dscd.msk.f32 $0xffff, v15, v15  }
0xb5: {  	(xrf1) =	vsort.ascd.msk.f32 $0xffff, v12, v12;
	v12, _, _ =	vpop (xrf1)  }
0xb6: {  	(xrf1) =	vsort.ascd.msk.f32 $0xffff, v8, v8;
	v8, _, _ =	vpop (xrf1)  }
0xb7: {  	v15 =	vld [tilespmem:s11+$0x2A0];
	(xrf1) =	vsort.ascd.msk.f32 $0xffff, v13, v13;
	v13, _, _ =	vpop (xrf1)  }
0xb8: {  	v22 =	vld [tilespmem:s11+$0x390];
	v23 =	vmin.f32 v18, v14;
	v14 =	vmax.f32 v18, v14;
	v24, _, _ =	vpop (xrf1);
	(xrf1) =	vsort.dscd.msk.f32 $0xffff, v21, v21  }
0xb9: {  	v18, _, _ =	vpop (xrf1);
	(xrf1) =	vsort.dscd.msk.f32 $0xffff, v23, v23  }
0xba: {  	v37 =	vld [tilespmem:s11+$0x380];
	v36 =	vmin.f32 v18, v13;
	v25, _, _ =	vpop (xrf1);
	(xrf1) =	vsort.dscd.msk.f32 $0xffff, v14, v14  }
0xbb: {  	(xrf1) =	vsort.dscd.msk.f32 $0xffff, v36, v36;
	v14, _, _ =	vpop (xrf1)  }
0xbc: {  	v26, _, _ =	vpop (xrf1);
	(xrf1) =	vsort.ascd.msk.f32 $0xffff, v15, v15  }
0xbd: {  	v38 =	vld [tilespmem:s11+$0x2B0];
	v15 =	vmax.f32 v19, v26;
	v27, _, _ =	vpop (xrf1);
	(xrf1) =	vsort.dscd.msk.f32 $0xffff, v22, v22  }
0xbe: {  	v39, _, _ =	vpop (xrf1);
	(xrf1) =	vsort.dscd.msk.f32 $0xffff, v15, v15  }
0xbf: {  	v15 =	vmin.f32 v19, v26;
	v19, _, _ =	vpop (xrf1);
	(xrf1) =	vsort.ascd.msk.f32 $0xffff, v37, v37  }
0xc0: {  	v40, _, _ =	vpop (xrf1);
	(xrf1) =	vsort.dscd.msk.f32 $0xffff, v15, v15;
	v15 =	vmin.f32 v19, v25;
	_ =	sdelay $0x1  }
0xc1: {  	v19 =	vmax.f32 v19, v25;
	v41, _, _ =	vpop (xrf1);
	(xrf1) =	vsort.dscd.msk.f32 $0xffff, v38, v38  }
0xc2: {  	(xrf1) =	vsort.dscd.msk.f32 $0xffff, v15, v15;
	v15, _, _ =	vpop (xrf1)  }
0xc3: {  	(xrf1) =	vsort.dscd.msk.f32 $0xffff, v19, v19;
	v42 =	vmin.f32 v24, v15  }
0xc4: {  	v19, _, _ =	vpop (xrf1);
	v15 =	vmax.f32 v24, v15;
	(xrf1) =	vsort.dscd.msk.f32 $0xffff, v42, v42  }
0xc5: {  	v43, _, _ =	vpop (xrf1);
	v44 =	vmin.f32 v19, v8;
	(xrf1) =	vsort.dscd.msk.f32 $0xffff, v15, v15  }
0xc6: {  	v13 =	vmax.f32 v18, v13;
	v8 =	vmax.f32 v19, v8;
	v45, _, _ =	vpop (xrf1);
	(xrf1) =	vsort.dscd.msk.f32 $0xffff, v44, v44  }
0xc7: {  	v15, _, _ =	vpop (xrf1);
	(xrf1) =	vsort.dscd.msk.f32 $0xffff, v8, v8  }
0xc8: {  	v18, _, _ =	vpop (xrf1);
	v8 =	vmin.f32 v45, v40;
	(xrf1) =	vsort.dscd.msk.f32 $0xffff, v13, v13  }
0xc9: {  	v19 =	vmin.f32 v41, v17;
	v13, _, _ =	vpop (xrf1);
	(xrf1) =	vsort.dscd.msk.f32 $0xffff, v8, v8  }
0xca: {  	v46, _, _ =	vpop (xrf1);
	v8 =	vmax.f32 v41, v17;
	(xrf1) =	vsort.dscd.msk.f32 $0xffff, v19, v19;
	v19 =	vmin.f32 v20, v27  }
0xcb: {  	v17, _, _ =	vpop (xrf1);
	(xrf1) =	vsort.dscd.msk.f32 $0xffff, v8, v8  }
0xcc: {  	v20 =	vmax.f32 v20, v27;
	v47, _, _ =	vpop (xrf1);
	v8 =	vmax.f32 v16, v15;
	(xrf1) =	vsort.dscd.msk.f32 $0xffff, v19, v19  }
0xcd: {  	v19, _, _ =	vpop (xrf1);
	(xrf1) =	vsort.dscd.msk.f32 $0xffff, v8, v8;
	v8 =	vmax.f32 v45, v40  }
0xce: {  	v48, _, _ =	vpop (xrf1)  }
0xcf: {  	v28 =	vimm.f32 $+Inf;
	v49 =	vmax.f32 v10, v14;
	(xrf1) =	vsort.dscd.msk.f32 $0xffff, v20, v20;
	v20, _, _ =	vpop (xrf1)  }
0xd0: {  	v18 =	vmin.f32 v28, v18;
	v50 =	vmin.f32 v28, v13;
	(xrf1) =	vsort.dscd.msk.f32 $0xffff, v8, v8;
	v8, _, _ =	vpop (xrf1)  }
0xd1: {  	v13 =	vmin.f32 v50, v18;
	v19 =	vmin.f32 v28, v19;
	v29, _, _ =	vpop (xrf1);
	(xrf1) =	vsort.dscd.msk.f32 $0xffff, v49, v49  }
0xd2: {  	v20 =	vmin.f32 v28, v20;
	v51 =	vmin.f32 v17, v8;
	v30, _, _ =	vpop (xrf1);
	(xrf1) =	vsort.ascd.msk.f32 $0xffff, v13, v13  }
0xd3: {  	v8 =	vmax.f32 v17, v8;
	v13 =	vmin.f32 v19, v20;
	(xrf1) =	vsort.dscd.msk.f32 $0xffff, v51, v51;
	v52, _, _ =	vpop (xrf1)  }
0xd4: {  	v15 =	vmin.f32 v16, v15;
	v16, _, _ =	vpop (xrf1);
	(xrf1) =	vsort.ascd.msk.f32 $0xffff, v13, v13  }
0xd5: {  	v13 =	vmin.f32 v28, v52;
	v16 =	vmin.f32 v28, v16;
	v17, _, _ =	vpop (xrf1);
	(xrf1) =	vsort.dscd.msk.f32 $0xffff, v15, v15  }
0xd6: {  	v15 =	vmin.f32 v16, v13;
	(xrf1) =	vsort.dscd.msk.f32 $0xffff, v8, v8;
	v8, _, _ =	vpop (xrf1)  }
0xd7: {  	v13 =	vmax.f32 v16, v13;
	v16 =	vmin.f32 v28, v17;
	v8 =	vmin.f32 v28, v8  }
0xd8: {  	v17, _, _ =	vpop (xrf1);
	(xrf1) =	vsort.ascd.msk.f32 $0xffff, v15, v15;
	v53 =	vmin.f32 v8, v16;
	v16 =	vmax.f32 v8, v16  }
0xd9: {  	v19 =	vmax.f32 v19, v20;
	(xrf1) =	vsort.ascd.msk.f32 $0xffff, v13, v13;
	v54, _, _ =	vpop (xrf1)  }
0xda: {  	v15 =	vmin.f32 v28, v30;
	v13 =	vmin.f32 v28, v29;
	(xrf1) =	vsort.ascd.msk.f32 $0xffff, v53, v53;
	v8, _, _ =	vpop (xrf1)  }
0xdb: {  	v55 =	vmin.f32 v15, v13;
	(xrf1) =	vsort.ascd.msk.f32 $0xffff, v16, v16;
	v16, _, _ =	vpop (xrf1)  }
0xdc: {  	(xrf1) =	vsort.ascd.msk.f32 $0xffff, v55, v55;
	v20, _, _ =	vpop (xrf1)  }
0xdd: {  	v14 =	vmin.f32 v10, v14;
	v56 =	vmin.f32 v48, v47;
	(xrf1) =	vsort.ascd.msk.f32 $0xffff, v19, v19;
	v19, _, _ =	vpop (xrf1)  }
0xde: {  	v26 =	vmax.f32 v48, v47;
	v15 =	vmax.f32 v15, v13;
	(xrf1) =	vsort.dscd.msk.f32 $0xffff, v56, v56;
	v13, _, _ =	vpop (xrf1)  }
0xdf: {  	v20 =	vmin.f32 v28, v20;
	(xrf1) =	vsort.dscd.msk.f32 $0xffff, v26, v26;
	v57 =	vmin.f32 v28, v13;
	v13, _, _ =	vpop (xrf1)  }
0xe0: {  	(xrf1) =	vsort.ascd.msk.f32 $0xffff, v15, v15;
	v58 =	vmax.f32 v57, v20;
	v59, _, _ =	vpop (xrf1);
	v15 =	vmin.f32 v57, v20  }
0xe1: {  	v20 =	vmax.f32 v39, v9;
	(xrf1) =	vsort.ascd.msk.f32 $0xffff, v58, v58;
	v10, _, _ =	vpop (xrf1)  }
0xe2: {  	(xrf1) =	vsort.dscd.msk.f32 $0xffff, v14, v14;
	v14, _, _ =	vpop (xrf1)  }
0xe3: {  	(xrf1) =	vsort.ascd.msk.f32 $0xffff, v15, v15;
	v15, _, _ =	vpop (xrf1)  }
0xe4: {  	v61 =	vmin.f32 v12, v11;
	v9 =	vmin.f32 v39, v9;
	(xrf1) =	vsort.dscd.msk.f32 $0xffff, v20, v20;
	v20, _, _ =	vpop (xrf1)  }
0xe5: {  	v11 =	vmax.f32 v12, v11;
	v18 =	vmax.f32 v50, v18;
	(xrf1) =	vsort.dscd.msk.f32 $0xffff, v9, v9;
	v60, _, _ =	vpop (xrf1)  }
0xe6: {  	v12, _, _ =	vpop (xrf1);
	(xrf1) =	vsort.ascd.msk.f32 $0xffff, v18, v18;
	v18 =	vmin.f32 v28, v46  }
0xe7: {  	v17 =	vmin.f32 v28, v17;
	v9, _, _ =	vpop (xrf1);
	(xrf1) =	vsort.dscd.msk.f32 $0xffff, v61, v61  }
0xe8: {  	v62 =	vmin.f32 v43, v7;
	v63 =	vmin.f32 v17, v18;
	(xrf1) =	vsort.dscd.msk.f32 $0xffff, v11, v11;
	v11, _, _ =	vpop (xrf1)  }
0xe9: {  	v7 =	vmax.f32 v43, v7;
	v17 =	vmax.f32 v17, v18;
	(xrf1) =	vsort.ascd.msk.f32 $0xffff, v63, v63;
	v18, _, _ =	vpop (xrf1)  }
0xea: {  	v11 =	vmin.f32 v11, v19;
	v18 =	vmin.f32 v18, v20;
	v19, _, _ =	vpop (xrf1);
	(xrf1) =	vsort.dscd.msk.f32 $0xffff, v7, v7  }
0xeb: {  	v7 =	vmin.f32 v19, v16;
	v19 =	vmax.f32 v11, v18;
	v11 =	vmin.f32 v11, v18  }
0xec: {  	(xrf1) =	vsort.dscd.msk.f32 $0xffff, v62, v62;
	v16, _, _ =	vpop (xrf1)  }
0xed: {  	v14 =	vmin.f32 v16, v14;
	(xrf1) =	vsort.ascd.msk.f32 $0xffff, v17, v17;
	v16, _, _ =	vpop (xrf1);
	v17 =	vmin.f32 v15, v60  }
0xee: {  	(xrf1) =	vsort.ascd.msk.f32 $0xffff, v11, v11;
	v18 =	vmin.f32 v17, v14;
	v11, _, _ =	vpop (xrf1)  }
0xef: {  	v15 =	vmin.f32 v28, v16;
	(xrf1) =	vsort.ascd.msk.f32 $0xffff, v19, v19;
	v16 =	vmin.f32 v28, v11;
	v11, _, _ =	vpop (xrf1)  }
0xf0: {  	v17 =	vmax.f32 v17, v14;
	(xrf1) =	vsort.ascd.msk.f32 $0xffff, v18, v18;
	v19 =	vmax.f32 v16, v15;
	v14, _, _ =	vpop (xrf1)  }
0xf1: {  	p0 =	por p1, p1;
	s12 =	simm.s32 $0x200;
	s11 =	simm.s32 $0x40;
	v12 =	vmin.f32 v12, v59;
	v14 =	vmin.f32 v14, v54;
	v18, _, _ =	vpop (xrf1);
	(xrf1) =	vsort.ascd.msk.f32 $0xffff, v19, v19  }
.LBB2_8:
0xf2: {  	s13 =	sand.u32 $0x1C00, s12  }
0xf3: {  	p1 =	sne.s32 s11, $0x3C0;
	v9 =	vmin.f32 v9, v18;
	v15 =	vmin.f32 v16, v15;
	v16, _, _ =	vpop (xrf1);
	(xrf1) =	vsort.ascd.msk.f32 $0xffff, v17, v17;
	s14 =	smov.u32 s11;
	s11 =	sadd.s32 $0x40, s11  }
0xf4: {  	s14 =	sand.u32 $0x40, s14;
	s13 =	sadd.s32 s13, s10;
	v13 =	vmin.f32 v16, v13;
	v16 =	vmin.f32 v12, v9;
	v17, _, _ =	vpop (xrf1);
	(xrf1) =	vsort.ascd.msk.f32 $0xffff, v15, v15  }
0xf5: {  	v8 =	vmin.f32 v11, v8;
	s13 =	sadd.s32 s14, s13;
	v15 =	vmax.f32 v13, v14;
	(xrf1) =	vsort.ascd.msk.f32 $0xffff, v16, v16;
	v11, _, _ =	vpop (xrf1)  }
0xf6: {  	v13 =	vmin.f32 v13, v14;
	v10 =	vmin.f32 v10, v17;
	v16 =	vld [tilespmem:s13+$0x1A0];
	(xrf1) =	vsort.ascd.msk.f32 $0xffff, v15, v15;
	v14, _, _ =	vpop (xrf1)  }
0xf7: {  	v18 =	vmax.f32 v12, v9;
	v15 =	vld [tilespmem:s13+$0x230];
	v19 =	vmin.f32 v14, v11;
	(xrf1) =	vsort.ascd.msk.f32 $0xffff, v13, v13;
	v12, _, _ =	vpop (xrf1)  }
0xf8: {  	v13 =	vmin.f32 v7, v8;
	v14 =	vld [tilespmem:s13+$0x130];
	v17 =	vmin.f32 v10, v19;
	(xrf1) =	vsort.ascd.msk.f32 $0xffff, v18, v18;
	v9, _, _ =	vpop (xrf1)  }
0xf9: {  	v20 =	vmax.f32 v10, v19;
	v23 =	vld [tilespmem:s13+$0x390];
	v11, _, _ =	vpop (xrf1);
	(xrf1) =	vsort.ascd.msk.f32 $0xffff, v17, v17  }
0xfa: {  	v17 =	vld [tilespmem:s13+$0x320];
	v18, _, _ =	vpop (xrf1);
	(xrf1) =	vsort.ascd.msk.f32 $0xffff, v20, v20  }
0xfb: {  	v19 =	vld [tilespmem:s13+$0x3A0];
	(xrf1) =	vsort.ascd.msk.f32 $0xffff, v13, v13;
	v10, _, _ =	vpop (xrf1)  }
0xfc: {  	v20 =	vld [tilespmem:s13+$0x3B0];
	(xrf1) =	vsort.dscd.msk.f32 $0xffff, v15, v15;
	v13, _, _ =	vpop (xrf1)  }
0xfd: {  	v7 =	vmax.f32 v7, v8;
	v21 =	vld [tilespmem:s13+$0xB0];
	v22 =	vmin.f32 v13, v10;
	v8, _, _ =	vpop (xrf1)  }
0xfe: {  	v24 =	vld [tilespmem:s13+$0x280];
	(xrf1) =	vsort.ascd.msk.f32 $0xffff, v7, v7;
	v10, _, _ =	vpop (xrf1)  }
0xff: {  	v7 =	vmin.f32 v11, v18;
	v25 =	vld [tilespmem:s13+$0x0];
	v13, _, _ =	vpop (xrf1)  }
0x100: {  	v26 =	vmin.f32 v7, v22;
	v11 =	vld [tilespmem:s13+$0x210];
	(xrf1) =	vsort.ascd.msk.f32 $0xffff, v16, v16;
	v18, _, _ =	vpop (xrf1)  }
0x101: {  	v16 =	vld [tilespmem:s13+$0x200];
	(xrf1) =	vsort.ascd.msk.f32 $0xffff, v26, v26;
	v15, _, _ =	vpop (xrf1)  }
0x102: {  	v26 =	vld [tilespmem:s13+$0x310];
	(xrf1) =	vsort.ascd.msk.f32 $0xffff, v17, v17;
	v17, _, _ =	vpop (xrf1)  }
0x103: {  	v22 =	vmax.f32 v7, v22;
	v27 =	vld [tilespmem:s13+$0x110];
	(xrf1) =	vsort.dscd.msk.f32 $0xffff, v14, v14;
	v17 =	vmin.f32 v17, v9;
	v14, _, _ =	vpop (xrf1)  }
0x104: {  	v28 =	vld [tilespmem:s13+$0x100];
	v7, _, _ =	vpop (xrf1);
	(xrf1) =	vsort.ascd.msk.f32 $0xffff, v22, v22  }
0x105: {  	v30 =	vld [tilespmem:s13+$0x180];
	(xrf1) =	vsort.dscd.msk.f32 $0xffff, v21, v21;
	v9, _, _ =	vpop (xrf1)  }
0x106: {  	v31 =	vld [tilespmem:s13+$0x2A0];
	(xrf1) =	vsort.ascd.msk.f32 $0xffff, v16, v16;
	v16, _, _ =	vpop (xrf1)  }
0x107: {  	v32 =	vld [tilespmem:s13+$0x290];
	(xrf1) =	vsort.ascd.msk.f32 $0xffff, v24, v24;
	v24, _, _ =	vpop (xrf1)  }
0x108: {  	v33 =	vld [tilespmem:s13+$0x10];
	(xrf1) =	vsort.ascd.msk.f32 $0xffff, v25, v25;
	v25, _, _ =	vpop (xrf1)  }
0x109: {  	v34 =	vld [tilespmem:s13+$0x80];
	(xrf1) =	vsort.dscd.msk.f32 $0xffff, v11, v11;
	v11 =	vmin.f32 v18, v12;
	v21, _, _ =	vpop (xrf1)  }
0x10a: {  	v12 =	vld [tilespmem:s13+$0x1B0];
	v35, _, _ =	vpop (xrf1);
	(xrf1) =	vsort.dscd.msk.f32 $0xffff, v20, v20;
	v18 =	vmin.f32 v17, v11  }
0x10b: {  	v11 =	vmax.f32 v17, v11;
	v36 =	vld [tilespmem:s13+$0x20];
	(xrf1) =	vsort.ascd.msk.f32 $0xffff, v18, v18  }
0x10c: {  	v17 =	vld [tilespmem:s13+$0x30];
	v22, _, _ =	vpop (xrf1);
	(xrf1) =	vsort.ascd.msk.f32 $0xffff, v11, v11  }
0x10d: {  	v11 =	vld [tilespmem:s13+$0x90];
	(xrf1) =	vsort.ascd.msk.f32 $0xffff, v19, v19  }
0x10e: {  	v18 =	vld [tilespmem:s13+$0x220];
	v29, _, _ =	vpop (xrf1);
	(xrf1) =	vsort.dscd.msk.f32 $0xffff, v26, v26  }
0x10f: {  	v26 =	vld [tilespmem:s13+$0xA0];
	(xrf1) =	vsort.dscd.msk.f32 $0xffff, v27, v27;
	v20, _, _ =	vpop (xrf1)  }
0x110: {  	(xrf1) =	vsort.ascd.msk.f32 $0xffff, v30, v30;
	v30, _, _ =	vpop (xrf1)  }
0x111: {  	v27 =	vld [tilespmem:s13+$0x190];
	(xrf1) =	vsort.ascd.msk.f32 $0xffff, v28, v28;
	v28, _, _ =	vpop (xrf1)  }
0x112: {  	v37 =	vld [tilespmem:s13+$0x300];
	(xrf1) =	vsort.dscd.msk.f32 $0xffff, v11, v11;
	v19, _, _ =	vpop (xrf1)  }
0x113: {  	v38, _, _ =	vpop (xrf1);
	(xrf1) =	vsort.dscd.msk.f32 $0xffff, v12, v12  }
0x114: {  	v39 =	vld [tilespmem:s13+$0x120];
	v11, _, _ =	vpop (xrf1);
	(xrf1) =	vsort.dscd.msk.f32 $0xffff, v32, v32  }
0x115: {  	v32 =	vld [tilespmem:s13+$0x2B0];
	(xrf1) =	vsort.dscd.msk.f32 $0xffff, v33, v33;
	v33, _, _ =	vpop (xrf1)  }
0x116: {  	v40, _, _ =	vpop (xrf1);
	(xrf1) =	vsort.ascd.msk.f32 $0xffff, v18, v18  }
0x117: {  	(xrf1) =	vsort.ascd.msk.f32 $0xffff, v34, v34;
	v12, _, _ =	vpop (xrf1)  }
0x118: {  	v34 =	vmin.f32 v11, v12;
	v41 =	vmax.f32 v11, v12;
	(xrf1) =	vsort.dscd.msk.f32 $0xffff, v17, v17;
	v17, _, _ =	vpop (xrf1)  }
0x119: {  	v42 =	vld [tilespmem:s13+$0x330];
	(xrf1) =	vsort.ascd.msk.f32 $0xffff, v26, v26;
	v11, _, _ =	vpop (xrf1)  }
0x11a: {  	(xrf1) =	vsort.dscd.msk.f32 $0xffff, v27, v27;
	v12, _, _ =	vpop (xrf1)  }
0x11b: {  	(xrf1) =	vsort.ascd.msk.f32 $0xffff, v37, v37;
	v26, _, _ =	vpop (xrf1)  }
0x11c: {  	v18 =	vmin.f32 v26, v17;
	v17 =	vmax.f32 v26, v17;
	(xrf1) =	vsort.ascd.msk.f32 $0xffff, v39, v39;
	v27, _, _ =	vpop (xrf1)  }
0x11d: {  	(xrf1) =	vsort.ascd.msk.f32 $0xffff, v36, v36;
	v26, _, _ =	vpop (xrf1)  }
0x11e: {  	v36, _, _ =	vpop (xrf1);
	(xrf1) =	vsort.dscd.msk.f32 $0xffff, v42, v42  }
0x11f: {  	v37, _, _ =	vpop (xrf1);
	(xrf1) =	vsort.dscd.msk.f32 $0xffff, v34, v34  }
0x120: {  	v43 =	vmin.f32 v37, v26;
	v37 =	vmax.f32 v37, v26;
	v39 =	vld [tilespmem:s13+$0x380];
	v42, _, _ =	vpop (xrf1);
	(xrf1) =	vsort.dscd.msk.f32 $0xffff, v41, v41  }
0x121: {  	(xrf1) =	vsort.dscd.msk.f32 $0xffff, v43, v43;
	v34, _, _ =	vpop (xrf1)  }
0x122: {  	v26, _, _ =	vpop (xrf1);
	(xrf1) =	vsort.ascd.msk.f32 $0xffff, v31, v31  }
0x123: {  	v31 =	vmin.f32 v33, v26;
	v26 =	vmax.f32 v33, v26;
	v33, _, _ =	vpop (xrf1);
	(xrf1) =	vsort.dscd.msk.f32 $0xffff, v23, v23  }
0x124: {  	v41 =	vmin.f32 v40, v33;
	v33 =	vmax.f32 v40, v33;
	v40, _, _ =	vpop (xrf1);
	(xrf1) =	vsort.dscd.msk.f32 $0xffff, v26, v26  }
0x125: {  	v23 =	vmin.f32 v40, v35;
	v26 =	vmax.f32 v40, v35;
	v35, _, _ =	vpop (xrf1);
	(xrf1) =	vsort.ascd.msk.f32 $0xffff, v39, v39  }
0x126: {  	v39 =	vmin.f32 v35, v42;
	v35 =	vmax.f32 v35, v42;
	v40, _, _ =	vpop (xrf1);
	(xrf1) =	vsort.dscd.msk.f32 $0xffff, v31, v31  }
0x127: {  	v31, _, _ =	vpop (xrf1);
	(xrf1) =	vsort.dscd.msk.f32 $0xffff, v32, v32  }
0x128: {  	v32 =	vmin.f32 v31, v38;
	v31 =	vmax.f32 v31, v38;
	(xrf1) =	vsort.dscd.msk.f32 $0xffff, v39, v39;
	v38, _, _ =	vpop (xrf1)  }
0x129: {  	v43 =	vmin.f32 v36, v38;
	v36 =	vmax.f32 v36, v38;
	(xrf1) =	vsort.dscd.msk.f32 $0xffff, v35, v35;
	v35, _, _ =	vpop (xrf1)  }
0x12a: {  	v44 =	vmin.f32 v35, v27;
	v35 =	vmax.f32 v35, v27;
	v42, _, _ =	vpop (xrf1);
	(xrf1) =	vsort.dscd.msk.f32 $0xffff, v43, v43  }
0x12b: {  	v27 =	vmin.f32 v42, v28;
	v28 =	vmax.f32 v42, v28;
	v39, _, _ =	vpop (xrf1);
	(xrf1) =	vsort.dscd.msk.f32 $0xffff, v36, v36  }
0x12c: {  	v36 =	vmin.f32 v39, v40;
	v39 =	vmax.f32 v39, v40;
	(xrf1) =	vsort.dscd.msk.f32 $0xffff, v44, v44;
	v38, _, _ =	vpop (xrf1)  }
0x12d: {  	v40, _, _ =	vpop (xrf1);
	(xrf1) =	vsort.dscd.msk.f32 $0xffff, v35, v35  }
0x12e: {  	v35 =	vmax.f32 v30, v38;
	(xrf1) =	vsort.dscd.msk.f32 $0xffff, v37, v37;
	v37, _, _ =	vpop (xrf1)  }
0x12f: {  	v42 =	vmax.f32 v29, v34;
	v30 =	vmin.f32 v30, v38;
	(xrf1) =	vsort.dscd.msk.f32 $0xffff, v36, v36;
	v36, _, _ =	vpop (xrf1)  }
0x130: {  	v29 =	vmin.f32 v29, v34;
	v24 =	vmin.f32 v24, v37;
	(xrf1) =	vsort.dscd.msk.f32 $0xffff, v32, v32;
	v32, _, _ =	vpop (xrf1)  }
0x131: {  	v37 =	vmin.f32 v25, v40;
	(xrf1) =	vsort.dscd.msk.f32 $0xffff, v31, v31;
	v31, _, _ =	vpop (xrf1)  }
0x132: {  	v34 =	vmin.f32 v24, v37;
	v24 =	vmax.f32 v24, v37;
	(xrf1) =	vsort.dscd.msk.f32 $0xffff, v41, v41;
	v25, _, _ =	vpop (xrf1)  }
0x133: {  	(xrf1) =	vsort.dscd.msk.f32 $0xffff, v35, v35;
	v35, _, _ =	vpop (xrf1)  }
0x134: {  	(xrf1) =	vsort.dscd.msk.f32 $0xffff, v33, v33;
	v33, _, _ =	vpop (xrf1)  }
0x135: {  	v15 =	vmin.f32 v15, v33;
	(xrf1) =	vsort.dscd.msk.f32 $0xffff, v39, v39;
	v33, _, _ =	vpop (xrf1)  }
0x136: {  	v37 =	vmax.f32 v32, v33;
	v38, _, _ =	vpop (xrf1);
	(xrf1) =	vsort.dscd.msk.f32 $0xffff, v42, v42  }
0x137: {  	v13 =	vmin.f32 v13, v25;
	v25 =	vmin.f32 v32, v33;
	v32, _, _ =	vpop (xrf1);
	(xrf1) =	vsort.ascd.msk.f32 $0xffff, v34, v34  }
0x138: {  	v21 =	vmin.f32 v21, v32;
	v32 =	vmin.f32 v13, v15;
	v33, _, _ =	vpop (xrf1);
	(xrf1) =	vsort.dscd.msk.f32 $0xffff, v25, v25  }
0x139: {  	v13 =	vmax.f32 v13, v15;
	v33 =	vmin.f32 v16, v33;
	v15, _, _ =	vpop (xrf1);
	(xrf1) =	vsort.ascd.msk.f32 $0xffff, v32, v32  }
0x13a: {  	v22 =	vmin.f32 v22, v38;
	v14 =	vmin.f32 v14, v15;
	v15, _, _ =	vpop (xrf1);
	(xrf1) =	vsort.dscd.msk.f32 $0xffff, v30, v30  }
0x13b: {  	v25 =	vmin.f32 v14, v33;
	v14 =	vmax.f32 v14, v33;
	(xrf1) =	vsort.dscd.msk.f32 $0xffff, v37, v37;
	v16, _, _ =	vpop (xrf1)  }
0x13c: {  	v10 =	vmin.f32 v10, v15;
	v30 =	vmin.f32 v8, v16;
	v15, _, _ =	vpop (xrf1);
	(xrf1) =	vsort.ascd.msk.f32 $0xffff, v25, v25  }
0x13d: {  	v15 =	vmin.f32 v20, v15;
	v25 =	vmin.f32 v30, v10;
	v20, _, _ =	vpop (xrf1);
	(xrf1) =	vsort.ascd.msk.f32 $0xffff, v14, v14  }
0x13e: {  	v10 =	vmax.f32 v30, v10;
	v8, _, _ =	vpop (xrf1);
	(xrf1) =	vsort.ascd.msk.f32 $0xffff, v25, v25  }
0x13f: {  	v14 =	vmin.f32 v21, v22;
	v16, _, _ =	vpop (xrf1);
	(xrf1) =	vsort.ascd.msk.f32 $0xffff, v10, v10  }
0x140: {  	v10 =	vmax.f32 v21, v22;
	v21 =	vmax.f32 v35, v31;
	v22, _, _ =	vpop (xrf1);
	(xrf1) =	vsort.ascd.msk.f32 $0xffff, v14, v14  }
0x141: {  	v14 =	vmin.f32 v19, v36;
	v19 =	vmin.f32 v35, v31;
	(xrf1) =	vsort.ascd.msk.f32 $0xffff, v13, v13;
	v25, _, _ =	vpop (xrf1)  }
0x142: {  	v30 =	vmin.f32 v15, v14;
	v14 =	vmax.f32 v15, v14;
	v13, _, _ =	vpop (xrf1);
	(xrf1) =	vsort.dscd.msk.f32 $0xffff, v19, v19  }
0x143: {  	v7 =	vmin.f32 v7, v22;
	v9 =	vmin.f32 v9, v13;
	v13, _, _ =	vpop (xrf1);
	(xrf1) =	vsort.dscd.msk.f32 $0xffff, v21, v21  }
0x144: {  	v15 =	vmin.f32 v9, v7;
	v7 =	vmax.f32 v9, v7;
	(xrf1) =	vsort.ascd.msk.f32 $0xffff, v10, v10;
	v19, _, _ =	vpop (xrf1)  }
0x145: {  	(xrf1) =	vsort.ascd.msk.f32 $0xffff, v7, v7;
	v10, _, _ =	vpop (xrf1)  }
0x146: {  	(xrf1) =	vsort.dscd.msk.f32 $0xffff, v29, v29;
	v21, _, _ =	vpop (xrf1)  }
0x147: {  	(xrf1) =	vsort.ascd.msk.f32 $0xffff, v15, v15;
	v15, _, _ =	vpop (xrf1)  }
0x148: {  	(xrf1) =	vsort.dscd.msk.f32 $0xffff, v26, v26;
	v7, _, _ =	vpop (xrf1)  }
0x149: {  	(xrf1) =	vsort.dscd.msk.f32 $0xffff, v23, v23;
	v22, _, _ =	vpop (xrf1)  }
0x14a: {  	v23, _, _ =	vpop (xrf1);
	(xrf1) =	vsort.ascd.msk.f32 $0xffff, v24, v24  }
0x14b: {  	v9, _, _ =	vpop (xrf1);
	(xrf1) =	vsort.dscd.msk.f32 $0xffff, v18, v18  }
0x14c: {  	v18, _, _ =	vpop (xrf1);
	(xrf1) =	vsort.dscd.msk.f32 $0xffff, v17, v17  }
0x14d: {  	v17 =	vmin.f32 v18, v25;
	(xrf1) =	vsort.ascd.msk.f32 $0xffff, v30, v30;
	v18, _, _ =	vpop (xrf1)  }
0x14e: {  	v18 =	vmin.f32 v18, v7;
	v7, _, _ =	vpop (xrf1);
	(xrf1) =	vsort.dscd.msk.f32 $0xffff, v28, v28  }
0x14f: {  	v7 =	vmin.f32 v7, v16;
	v24 =	vmax.f32 v17, v18;
	(xrf1) =	vsort.dscd.msk.f32 $0xffff, v27, v27;
	v16, _, _ =	vpop (xrf1)  }
.Ltmp3:
0x150: {  	v21 =	vmin.f32 v16, v21;
	v16 =	vmin.f32 v17, v18;
	(xrf1) =	vsort.ascd.msk.f32 $0xffff, v14, v14;
	v14, _, _ =	vpop (xrf1);
	(pc) =	sbr.rel @p1 .LBB2_8-.Ltmp3, $4  }
0x151: {  	v17 =	vmin.f32 v15, v22;
	v15 =	vmin.f32 v12, v14;
	(xrf1) =	vsort.ascd.msk.f32 $0xffff, v16, v16;
	v12, _, _ =	vpop (xrf1)  }
0x152: {  	v14 =	vmin.f32 v17, v21;
	v16 =	vmin.f32 v11, v12;
	v11, _, _ =	vpop (xrf1);
	(xrf1) =	vsort.ascd.msk.f32 $0xffff, v24, v24  }
0x153: {  	v17 =	vmax.f32 v17, v21;
	v21 =	vmax.f32 v16, v15;
	v12, _, _ =	vpop (xrf1);
	(xrf1) =	vsort.ascd.msk.f32 $0xffff, v14, v14  }
0x154: {  	s12 =	sadd.s32 $0x200, s12;
	v14 =	vmin.f32 v12, v20;
	v12 =	vmin.f32 v23, v19;
	v18, _, _ =	vpop (xrf1);
	(xrf1) =	vsort.ascd.msk.f32 $0xffff, v21, v21  }
0x155: {  	v61, _, _ =	vpop (xrf1)  }
0x156: {  	v62, _, _ =	vpop (xrf1)  }
0x157: {  	v15 =	vmin.f32 v16, v15;
	(xrf1) =	vsort.ascd.msk.f32 $0xffff, v17, v17;
	v9 =	vmin.f32 v9, v18;
	v21, _, _ =	vpop (xrf1)  }
0x158: {  	(xrf1) =	vsort.ascd.msk.f32 $0xffff, v15, v15;
	v13 =	vmin.f32 v61, v13;
	v63 =	vmin.f32 v12, v9;
	v23, _, _ =	vpop (xrf1)  }
0x159: {  	v22 =	vmax.f32 v13, v14;
	(xrf1) =	vsort.ascd.msk.f32 $0xffff, v63, v63;
	v24, _, _ =	vpop (xrf1)  }
0x15a: {  	v9 =	vmax.f32 v12, v9;
	v13 =	vmin.f32 v13, v14;
	(xrf1) =	vsort.ascd.msk.f32 $0xffff, v22, v22;
	v26, _, _ =	vpop (xrf1)  }
0x15b: {  	v10 =	vmin.f32 v10, v62;
	v25 =	vmin.f32 v23, v21;
	(xrf1) =	vsort.ascd.msk.f32 $0xffff, v13, v13;
	v27, _, _ =	vpop (xrf1)  }
0x15c: {  	v15 =	vmin.f32 v10, v25;
	(xrf1) =	vsort.ascd.msk.f32 $0xffff, v9, v9;
	v28, _, _ =	vpop (xrf1)  }
0x15d: {  	v8 =	vmin.f32 v11, v8;
	v10 =	vmax.f32 v10, v25;
	(xrf1) =	vsort.ascd.msk.f32 $0xffff, v15, v15;
	v30, _, _ =	vpop (xrf1)  }
0x15e: {  	v29 =	vmin.f32 v7, v8;
	v7 =	vmax.f32 v7, v8;
	(xrf1) =	vsort.ascd.msk.f32 $0xffff, v10, v10;
	v31, _, _ =	vpop (xrf1)  }
0x15f: {  	(xrf1) =	vsort.ascd.msk.f32 $0xffff, v29, v29;
	v9 =	vmin.f32 v27, v28;
	v8 =	vmin.f32 v31, v30  }
0x160: {  	(xrf1) =	vsort.ascd.msk.f32 $0xffff, v7, v7;
	v11 =	vmin.f32 v9, v8  }
0x161: {  	s9 =	sshll.u32 s9, $0x3;
	v32, _, _ =	vpop (xrf1);
	v8 =	vmax.f32 v9, v8;
	(xrf1) =	vsort.ascd.msk.f32 $0xffff, v11, v11  }
0x162: {  	s9 =	sor.u32 s2, s9;
	v7, _, _ =	vpop (xrf1);
	(xrf1) =	vsort.ascd.msk.f32 $0xffff, v8, v8  }
0x163: {  	v37 =	vmul.u32 $0x80, v0;
	s10 =	sor.u32 $0x1, s9;
	s14 =	sor.u32 $0x2, s9;
	v33, _, _ =	vpop (xrf1);
	v8 =	vmov s9  }
0x164: {  	v38 =	vmov s10;
	v19 =	vmov s14;
	v34, _, _ =	vpop (xrf1);
	v8 =	vand.u32 $0x78, v8  }
0x165: {  	v19 =	vand.u32 $0x7A, v19;
	v15 =	vand.u32 $0x79, v38;
	v35, _, _ =	vpop (xrf1);
	v8 =	vbroadcast v8, $0x0  }
0x166: {  	v19 =	vbroadcast v19, $0x0;
	v15 =	vbroadcast v15, $0x0;
	v36, _, _ =	vpop (xrf1)  }
0x167: {  	v41 =	vor.u32 $0x800, v37;
	v40, _, _ =	vpop (xrf1);
	v39 =	vor.u32 v37, v8  }
0x168: {  	s11 =	sor.u32 $0x3, s9;
	v45 =	vor.u32 v37, v19;
	v23 =	vor.u32 v37, v15;
	v20, _, _ =	vpop (xrf1);
	v8 =	vor.u32 v41, v8  }
0x169: {  	v9 =	vmin.f32 v34, v24;
	v24 =	vmov s11;
	v13 =	vmin.f32 v36, v26;
	v22, _, _ =	vpop (xrf1)  }
0x16a: {  	s12 =	sor.u32 $0x4, s9;
	v42 =	vor.u32 v41, v15;
	v43 =	vand.u32 $0x7B, v24;
	v21 =	vmin.f32 v13, v9;
	v25, _, _ =	vpop (xrf1)  }
0x16b: {  	v15 =	vbroadcast v43, $0x0;
	v26 =	vmov s12;
	v9 =	vmax.f32 v13, v9;
	(xrf1) =	vsort.ascd.msk.f32 $0xffff, v21, v21;
	v44, _, _ =	vpop (xrf1)  }
0x16c: {  	s13 =	sor.u32 $0x5, s9;
	v47 =	vor.u32 v41, v19;
	v48 =	vand.u32 $0x7C, v26;
	(xrf1) =	vsort.ascd.msk.f32 $0xffff, v9, v9;
	v46, _, _ =	vpop (xrf1);
	[tilespmem:v39+s29+$0x0] =	vst.idx.msk $0xffff, v22  }
0x16d: {  	v50 =	vmov s13;
	v19 =	vbroadcast v48, $0x0;
	v49, _, _ =	vpop (xrf1);
	[tilespmem:v8+s29+$0x0] =	vst.idx.msk $0xffff, v20;
	v8 =	vor.u32 v37, v15  }
0x16e: {  	s14 =	sor.u32 $0x6, s9;
	v51, _, _ =	vpop (xrf1);
	v15 =	vor.u32 v41, v15;
	v20 =	vand.u32 $0x7D, v50;
	[tilespmem:v23+s29+$0x0] =	vst.idx.msk $0xffff, v49  }
0x16f: {  	v54 =	vmov s14;
	v53 =	vor.u32 v37, v19;
	v20 =	vbroadcast v20, $0x0;
	[tilespmem:v42+s29+$0x0] =	vst.idx.msk $0xffff, v51;
	v52, _, _ =	vpop (xrf1)  }
0x170: {  	s9 =	sor.u32 $0x7, s9;
	v19 =	vor.u32 v41, v19;
	v22 =	vand.u32 $0x7E, v54;
	[tilespmem:v45+s29+$0x0] =	vst.idx.msk $0xffff, v52;
	v55, _, _ =	vpop (xrf1)  }
0x171: {  	v58 =	vmov s9;
	v57 =	vbroadcast v22, $0x0;
	v56 =	vor.u32 v37, v20;
	[tilespmem:v47+s29+$0x0] =	vst.idx.msk $0xffff, v55  }
0x172: {  	v59 =	vand.u32 $0x7F, v58;
	[tilespmem:v8+s29+$0x0] =	vst.idx.msk $0xffff, v40;
	v8 =	vor.u32 v41, v20  }
0x173: {  	v17 =	vbroadcast v59, $0x0;
	v60 =	vor.u32 v37, v57;
	[tilespmem:v15+s29+$0x0] =	vst.idx.msk $0xffff, v25  }
0x174: {  	v61 =	vor.u32 v41, v57;
	[tilespmem:v53+s29+$0x0] =	vst.idx.msk $0xffff, v44  }
0x175: {  	v62 =	vor.u32 v37, v17;
	[tilespmem:v19+s29+$0x0] =	vst.idx.msk $0xffff, v46  }
0x176: {  	v63 =	vor.u32 v41, v17;
	[tilespmem:v56+s29+$0x0] =	vst.idx.msk $0xffff, v33  }
.Ltmp4:
0x177: {  	[tilespmem:v8+s29+$0x0] =	vst.idx.msk $0xffff, v35;
	(pc) =	sbr.rel @p0 .LBB2_7-.Ltmp4, $4  }
0x178: {  	[tilespmem:v60+s29+$0x0] =	vst.idx.msk $0xffff, v32  }
0x179: {  	v8, _, _ =	vpop (xrf1);
	[tilespmem:v61+s29+$0x0] =	vst.idx.msk $0xffff, v7  }
0x17a: {  	v7, _, _ =	vpop (xrf1);
	[tilespmem:v62+s29+$0x0] =	vst.idx.msk $0xffff, v8  }
0x17b: {  	p1 =	por $0x0, $0x0;
	s9 =	simm.s32 $0x1;
	[tilespmem:v63+s29+$0x0] =	vst.idx.msk $0xffff, v7  }
0x17c: {  	s31 =	sadd.s32 $0x1, s31  }
0x17d: {  	p0 =	sne.s32 s31, $0x8  }
.Ltmp5:
0x17e: {  	_ = 	snop;
	(pc) =	sbr.rel @p0 .LBB2_2-.Ltmp5, $1  }
0x17f: {  	_ =	sdelay $0x3  }
0x180: {  	s0 =	rddreg [dreg:$0x5];
	s2 =	simm.s32 $0x400;
	s5 =	simm.s32 $0x8000  }
0x181: {  	[hbm4b:s0+s2] =	stream.strided.scatter [tilespmem:s29], [sflag:$0x4], $0x1000, s5, s2, $0x38;
	[tilespmem:$0xD080] =	vst v63  }
0x182: {  	s2 =	simm.s32 $0x4  }
0x183: {  	_ =	swait.ge [sflag:s2], $0x1000  }
0x184: {  	s30 =	sadd.s32 $0x1, s30;
	s31 =	rddreg [dreg:$0x6]  }
0x185: {  	p0 =	sne.s32 s30, s31  }
.Ltmp6:
0x186: {  	_ = 	snop;
	(pc) =	sbr.rel @p0 .LBB2_1-.Ltmp6, $3  }
0x187: {  	_ =	sdelay $0x1  }
0x188: {  	[sflag:s2] =	ssyncset.done $0x0  }
0x189: {  	[sflag:s2] =	ssyncadd.s32 $0xFFFFF000  }
0x18a: {  	_ =	sfence.sel $0x180000  }
0x18b: {  	[bflag:$0x0] =	sbarrier.arrive $0xFFFF  }
0x18c: {  	_ =	strace $0x90000047  }
0x18d: {  	s0 =	stileid.u32;
	[bflag:$0x2] =	sbarrier.arrive $0xFFFF  }
0x18e: {  	p0 =	sne.s32 s0, $0x0;
	s0 =	rddreg [dreg:$0x3]  }
0x18f: {  	s0 =	sadd.s32 @!p0 $0x100000, s0  }
0x190: {  	[sflag:s0] =	ssyncadd.tile.s32 @!p0 $0x1;
	_ =	shalt  }
.Lfunc_end2:
_tile_overlayer_lowered:
.L_overlay_start_2:
0x191: {  	(tag) =	ssettag $0x2  }
0x192: {  	s0 =	rddreg [dreg:$0x0];
	s2 =	stileid.u32  }
0x193: {  	s1 =	rddreg [dreg:$0x1];
	p0 =	sne.s32 s2, $0x0  }
0x194: {  	s3 =	rddreg [dreg:$0x2];
	[bflag:$0x3] =	sbarrier.arrive $0xFFFF;
	s2 =	simm.s32 @!p0 $0x1C04  }
0x195: {  	[timem:s3], [sflag:s2] =	dma.local @!p0 [hbm:s0], s1  }
0x196: {  	s0 =	simm.s32 @!p0 $0x4  }
0x197: {  	_ =	swait.ge @!p0 [sflag:s0], s1  }
0x198: {  	s1 =	ssub.s32 @!p0 $0x0, s1;
	[sflag:s0] =	ssyncset.done @!p0 $0x0  }
0x199: {  	[sflag:s0] =	ssyncadd.s32 @!p0 s1  }
0x19a: {  	[bflag:$0x3] =	sbarrier.arrive $0xFFFF  }
0x19b: {  	_ =	shalt  }

</sc_bundles>
